<compile_context>
chip_gen: v7x
topology: tpu7x:2x2x1
jax: 0.10.2.dev20260603
libtpu: 0.0.44.dev20260713+nightly
codegen_flags: <defaults>
</compile_context>

<pallas_src>
import jax
import jax.numpy as jnp
from jax import lax
from jax.experimental import pallas as pl



def _msg_mlp_body(x_ref, w1_ref, b1_ref, w2_ref, b2_ref, o_ref):
    x = x_ref[...]
    h = jnp.dot(x, w1_ref[...], preferred_element_type=jnp.float32) + b1_ref[...]
    h = h * jax.nn.sigmoid(h)
    y = jnp.dot(h, w2_ref[...], preferred_element_type=jnp.float32) + b2_ref[...]
    o_ref[...] = y * jax.nn.sigmoid(y)


def _msg_mlp(tri_scalars, W1, b1, W2, b2, blk):
    t, d = tri_scalars.shape
    hid = W1.shape[1]
    grid = t // blk
    return pl.pallas_call(
        _msg_mlp_body,
        grid=(grid,),
        in_specs=[
            pl.BlockSpec((blk, d), lambda i: (i, 0)),
            pl.BlockSpec((d, hid), lambda i: (0, 0)),
            pl.BlockSpec((1, hid), lambda i: (0, 0)),
            pl.BlockSpec((hid, hid), lambda i: (0, 0)),
            pl.BlockSpec((1, hid), lambda i: (0, 0)),
        ],
        out_specs=pl.BlockSpec((blk, hid), lambda i: (i, 0)),
        out_shape=jax.ShapeDtypeStruct((t, hid), jnp.float32),
    )(tri_scalars, W1, b1.reshape(1, hid), W2, b2.reshape(1, hid))



def _upd_body(es_ref, agg_ref, cnt_ref, w1a_ref, w1b_ref, b1_ref, w2_ref,
              b2_ref, g_ref, bb_ref, o_ref):
    es = es_ref[...]
    cnt = cnt_ref[...][:, :1]
    mean_msg = agg_ref[...] / jnp.maximum(cnt, 1.0)
    u = (jnp.dot(es, w1a_ref[...], preferred_element_type=jnp.float32)
         + jnp.dot(mean_msg, w1b_ref[...], preferred_element_type=jnp.float32)
         + b1_ref[...])
    u = u * jax.nn.sigmoid(u)
    upd = jnp.dot(u, w2_ref[...], preferred_element_type=jnp.float32) + b2_ref[...]
    r = es + upd
    m = jnp.mean(r, axis=-1, keepdims=True)
    v = jnp.mean((r - m) * (r - m), axis=-1, keepdims=True)
    o_ref[...] = (r - m) * jax.lax.rsqrt(v + 1e-5) * g_ref[...] + bb_ref[...]


def _upd_mlp(edge_scalars, agg, cnt2, W1, b1, W2, b2, g, b, blk):
    e, d = edge_scalars.shape
    hid = W1.shape[1]
    W1a = W1[:d]
    W1b = W1[d:]
    grid = e // blk
    return pl.pallas_call(
        _upd_body,
        grid=(grid,),
        in_specs=[
            pl.BlockSpec((blk, d), lambda i: (i, 0)),
            pl.BlockSpec((blk, hid), lambda i: (i, 0)),
            pl.BlockSpec((blk, 1), lambda i: (i, 0)),
            pl.BlockSpec((d, hid), lambda i: (0, 0)),
            pl.BlockSpec((hid, hid), lambda i: (0, 0)),
            pl.BlockSpec((1, hid), lambda i: (0, 0)),
            pl.BlockSpec((hid, d), lambda i: (0, 0)),
            pl.BlockSpec((1, d), lambda i: (0, 0)),
            pl.BlockSpec((1, d), lambda i: (0, 0)),
            pl.BlockSpec((1, d), lambda i: (0, 0)),
        ],
        out_specs=pl.BlockSpec((blk, d), lambda i: (i, 0)),
        out_shape=jax.ShapeDtypeStruct((e, d), jnp.float32),
    )(edge_scalars, agg, cnt2, W1a, W1b, b1.reshape(1, hid),
      W2, b2.reshape(1, d), g.reshape(1, d), b.reshape(1, d))



def kernel(edge_features, triangle_features, edge_index, triangle_index,
           W_msg1, b_msg1, W_msg2, b_msg2, W_upd1, b_upd1, W_upd2, b_upd2,
           ln_g, ln_b):
    num_edges = edge_features.shape[0]
    num_tri = triangle_features.shape[0]
    hid = W_msg1.shape[1]

    M = jnp.maximum(jnp.max(edge_index), jnp.max(triangle_index)) + 1
    src, tgt = edge_index[0], edge_index[1]
    edge_key = jnp.minimum(src, tgt) * M + jnp.maximum(src, tgt)
    sorted_keys, order = lax.sort_key_val(
        edge_key, jnp.arange(num_edges, dtype=jnp.int32), is_stable=True)

    v0, v1, v2 = triangle_index[0], triangle_index[1], triangle_index[2]

    def pkey(x, y):
        return jnp.minimum(x, y) * M + jnp.maximum(x, y)

    tri_keys = jnp.concatenate([pkey(v0, v1), pkey(v1, v2), pkey(v2, v0)])
    pos = jnp.searchsorted(sorted_keys, tri_keys, side='right') - 1
    posc = jnp.clip(pos, 0, num_edges - 1)
    valid = (pos >= 0) & (sorted_keys[posc] == tri_keys)
    match_edge = jnp.where(valid, order[posc], num_edges)

    blk_t = 1000 if num_tri % 1000 == 0 else num_tri
    tri_msgs = _msg_mlp(triangle_features[:, 3:], W_msg1, b_msg1, W_msg2,
                        b_msg2, blk_t)

    contrib = jnp.concatenate([tri_msgs, tri_msgs, tri_msgs], axis=0)
    agg = jnp.zeros((num_edges + 1, hid), jnp.float32).at[match_edge].add(contrib)
    cnt = jnp.zeros((num_edges + 1,), jnp.float32).at[match_edge].add(1.0)
    cnt2 = cnt.reshape(num_edges + 1, 1)

    blk_e = 1280 if num_edges % 1280 == 0 else num_edges
    res = _upd_mlp(edge_features[:, 3:], agg, cnt2, W_upd1, b_upd1, W_upd2,
                   b_upd2, ln_g, ln_b, blk_e)
    return jnp.concatenate([edge_features[:, :3], res], axis=-1)

# --- scband reference (transcript-rebuilt; emitter-appended) ---
"""Pipeline reference for scband-triangle-to-edge-message-passing-39109972197650 (READ-ONLY COPY).

The authoritative reference and input builder live on the scoring server;
editing this copy changes nothing except your own understanding.
"""

import jax, jax.numpy as jnp
import numpy as np

E = 320000
T = 100000
EDGE_DIM = 131
TRI_DIM = 131
HID = 128
N = 10000


def _silu(x):
    return x * jax.nn.sigmoid(x)


def _layernorm(x, g, b, eps=1e-5):
    m = jnp.mean(x, axis=-1, keepdims=True)
    v = jnp.var(x, axis=-1, keepdims=True)
    return (x - m) / jnp.sqrt(v + eps) * g + b


def setup_inputs(seed: int = 0):
    key = jax.random.key(seed)
    ks = jax.random.split(key, 10)

    edge_features = jax.random.normal(ks[0], (E, EDGE_DIM), dtype=jnp.float32)
    triangle_features = jax.random.normal(ks[1], (T, TRI_DIM), dtype=jnp.float32)
    edge_index = jax.random.randint(ks[2], (2, E), 0, N, dtype=jnp.int32)
    triangle_index = jax.random.randint(ks[3], (3, T), 0, N, dtype=jnp.int32)

    def lin(k, fan_in, fan_out):
        lim = np.sqrt(6.0 / (fan_in + fan_out))
        return jax.random.uniform(k, (fan_in, fan_out), minval=-lim, maxval=lim, dtype=jnp.float32)

    W_msg1 = lin(ks[4], TRI_DIM - 3, HID)
    b_msg1 = jnp.zeros((HID,), jnp.float32)
    W_msg2 = lin(ks[5], HID, HID)
    b_msg2 = jnp.zeros((HID,), jnp.float32)
    W_upd1 = lin(ks[6], EDGE_DIM - 3 + HID, HID)
    b_upd1 = jnp.zeros((HID,), jnp.float32)
    W_upd2 = lin(ks[7], HID, EDGE_DIM - 3)
    b_upd2 = jnp.zeros((EDGE_DIM - 3,), jnp.float32)
    ln_g = jnp.ones((EDGE_DIM - 3,), jnp.float32)
    ln_b = jnp.zeros((EDGE_DIM - 3,), jnp.float32)

    return {
        'edge_features': edge_features,
        'triangle_features': triangle_features,
        'edge_index': edge_index,
        'triangle_index': triangle_index,
        'W_msg1': W_msg1, 'b_msg1': b_msg1,
        'W_msg2': W_msg2, 'b_msg2': b_msg2,
        'W_upd1': W_upd1, 'b_upd1': b_upd1,
        'W_upd2': W_upd2, 'b_upd2': b_upd2,
        'ln_g': ln_g, 'ln_b': ln_b,
    }


def reference(edge_features, triangle_features, edge_index, triangle_index,
              W_msg1, b_msg1, W_msg2, b_msg2, W_upd1, b_upd1, W_upd2, b_upd2,
              ln_g, ln_b):
    num_edges = edge_features.shape[0]
    num_tri = triangle_features.shape[0]
    hid = W_msg1.shape[1]

    # --- build edge -> triangle mapping via canonical (min,max) vertex-pair keys ---
    M = jnp.maximum(jnp.max(edge_index), jnp.max(triangle_index)) + 1
    src, tgt = edge_index[0], edge_index[1]
    ea = jnp.minimum(src, tgt)
    eb = jnp.maximum(src, tgt)
    edge_key = ea * M + eb
    # dict semantics: later edge index overwrites earlier on duplicate key ->
    # stable sort + searchsorted side='right' picks max edge index per key
    order = jnp.argsort(edge_key)
    sorted_keys = edge_key[order]

    v0, v1, v2 = triangle_index[0], triangle_index[1], triangle_index[2]

    def pkey(x, y):
        return jnp.minimum(x, y) * M + jnp.maximum(x, y)

    tri_keys = jnp.concatenate([pkey(v0, v1), pkey(v1, v2), pkey(v2, v0)])  # [3T]
    pos = jnp.searchsorted(sorted_keys, tri_keys, side='right') - 1
    posc = jnp.clip(pos, 0, num_edges - 1)
    valid = (pos >= 0) & (sorted_keys[posc] == tri_keys)
    match_edge = order[posc]

    # --- message net on triangle scalar features ---
    tri_scalars = triangle_features[:, 3:]
    h = _silu(tri_scalars @ W_msg1 + b_msg1)
    tri_msgs = _silu(h @ W_msg2 + b_msg2)  # [T, hid]

    tri_ids = jnp.tile(jnp.arange(num_tri), 3)  # [3T]
    vmask = valid.astype(tri_msgs.dtype)
    contrib = tri_msgs[tri_ids] * vmask[:, None]
    agg = jnp.zeros((num_edges, hid), tri_msgs.dtype).at[match_edge].add(contrib)
    cnt = jnp.zeros((num_edges,), tri_msgs.dtype).at[match_edge].add(vmask)
    mean_msg = agg / jnp.maximum(cnt, 1.0)[:, None]  # edges with no triangles stay 0

    # --- update net + residual + layernorm ---
    edge_vectors = edge_features[:, :3]
    edge_scalars = edge_features[:, 3:]
    upd_in = jnp.concatenate([edge_scalars, mean_msg], axis=-1)
    u = _silu(upd_in @ W_upd1 + b_upd1)
    updated = u @ W_upd2 + b_upd2
    res = edge_scalars + updated
    res = _layernorm(res, ln_g, ln_b)
    return jnp.concatenate([edge_vectors, res], axis=-1)

if __name__ == "__main__":
    import jax
    _d = setup_inputs()
    print(jax.jit(kernel)(*tuple(_d.values())))

</pallas_src>

<mosaic_0001>
module attributes {stable_mosaic.version = 14 : i64} {
  func.func @_msg_mlp_body(%arg0: i32, %arg1: memref<1000x128xf32, #tpu.memory_space<vmem>>, %arg2: memref<128x128xf32, #tpu.memory_space<vmem>>, %arg3: memref<1x128xf32, #tpu.memory_space<vmem>>, %arg4: memref<128x128xf32, #tpu.memory_space<vmem>>, %arg5: memref<1x128xf32, #tpu.memory_space<vmem>>, %arg6: memref<1000x128xf32, #tpu.memory_space<vmem>>) attributes {dimension_semantics = [#tpu.dimension_semantics<arbitrary>], iteration_bounds = array<i64: 100>, scalar_prefetch = 0 : i64, scratch_operands = 0 : i64, tpu.core_type = #tpu.core_type<tc>, window_params = [{transform_indices = @transform_0, window_bounds = array<i64: 1000, 128>}, {pipeline_mode = #tpu.pipeline_mode<synchronous>, transform_indices = @transform_1, window_bounds = array<i64: 128, 128>}, {pipeline_mode = #tpu.pipeline_mode<synchronous>, transform_indices = @transform_2, window_bounds = array<i64: 1, 128>}, {pipeline_mode = #tpu.pipeline_mode<synchronous>, transform_indices = @transform_3, window_bounds = array<i64: 128, 128>}, {pipeline_mode = #tpu.pipeline_mode<synchronous>, transform_indices = @transform_4, window_bounds = array<i64: 1, 128>}, {transform_indices = @transform_5, window_bounds = array<i64: 1000, 128>}]} {
    %get3A = arith.constant 0 : index
    %get3A_0 = arith.constant 0 : index
    %get3A_1 = vector.load %arg1[%get3A, %get3A_0] : memref<1000x128xf32, #tpu.memory_space<vmem>>, vector<1000x128xf32>
    %get3A_2 = arith.constant 0 : index
    %get3A_3 = arith.constant 0 : index
    %get3A_4 = vector.load %arg2[%get3A_2, %get3A_3] : memref<128x128xf32, #tpu.memory_space<vmem>>, vector<128x128xf32>
    %dot_general3A = arith.constant dense<0.000000e+00> : vector<1000x128xf32>
    %dot_general3A_5 = tpu.matmul %get3A_1, %get3A_4, %dot_general3A {dimension_numbers = #tpu.dot_dimension_numbers<[1], [0], [0], [1], [0, 0, 1, 1], [], []>, transpose_lhs_hint = false} : vector<1000x128xf32>, vector<128x128xf32>, vector<1000x128xf32> -> vector<1000x128xf32>
    %get3A_6 = arith.constant 0 : index
    %get3A_7 = arith.constant 0 : index
    %get3A_8 = vector.load %arg3[%get3A_6, %get3A_7] : memref<1x128xf32, #tpu.memory_space<vmem>>, vector<1x128xf32>
    %add3A = vector.broadcast %get3A_8 : vector<1x128xf32> to vector<1000x128xf32>
    %add3A_9 = arith.addf %dot_general3A_5, %add3A : vector<1000x128xf32>
    %logistic3A = arith.negf %add3A_9 : vector<1000x128xf32>
    %logistic3A_10 = math.exp %logistic3A : vector<1000x128xf32>
    %logistic3A_11 = arith.constant 1.000000e+00 : f32
    %logistic3A_12 = vector.broadcast %logistic3A_11 : f32 to vector<1000x128xf32>
    %logistic3A_13 = arith.addf %logistic3A_12, %logistic3A_10 : vector<1000x128xf32>
    %logistic3A_14 = arith.divf %logistic3A_12, %logistic3A_13 : vector<1000x128xf32>
    %mul3A = arith.mulf %add3A_9, %logistic3A_14 : vector<1000x128xf32>
    %get3A_15 = arith.constant 0 : index
    %get3A_16 = arith.constant 0 : index
    %get3A_17 = vector.load %arg4[%get3A_15, %get3A_16] : memref<128x128xf32, #tpu.memory_space<vmem>>, vector<128x128xf32>
    %dot_general3A_18 = arith.constant dense<0.000000e+00> : vector<1000x128xf32>
    %dot_general3A_19 = tpu.matmul %mul3A, %get3A_17, %dot_general3A_18 {dimension_numbers = #tpu.dot_dimension_numbers<[1], [0], [0], [1], [0, 0, 1, 1], [], []>, transpose_lhs_hint = false} : vector<1000x128xf32>, vector<128x128xf32>, vector<1000x128xf32> -> vector<1000x128xf32>
    %get3A_20 = arith.constant 0 : index
    %get3A_21 = arith.constant 0 : index
    %get3A_22 = vector.load %arg5[%get3A_20, %get3A_21] : memref<1x128xf32, #tpu.memory_space<vmem>>, vector<1x128xf32>
    %add3A_23 = vector.broadcast %get3A_22 : vector<1x128xf32> to vector<1000x128xf32>
    %add3A_24 = arith.addf %dot_general3A_19, %add3A_23 : vector<1000x128xf32>
    %logistic3A_25 = arith.negf %add3A_24 : vector<1000x128xf32>
    %logistic3A_26 = math.exp %logistic3A_25 : vector<1000x128xf32>
    %logistic3A_27 = arith.constant 1.000000e+00 : f32
    %logistic3A_28 = vector.broadcast %logistic3A_27 : f32 to vector<1000x128xf32>
    %logistic3A_29 = arith.addf %logistic3A_28, %logistic3A_26 : vector<1000x128xf32>
    %logistic3A_30 = arith.divf %logistic3A_28, %logistic3A_29 : vector<1000x128xf32>
    %mul3A_31 = arith.mulf %add3A_24, %logistic3A_30 : vector<1000x128xf32>
    %swap3A = arith.constant 0 : index
    %swap3A_32 = arith.constant 0 : index
    %swap3A_33 = vector.load %arg6[%swap3A, %swap3A_32] : memref<1000x128xf32, #tpu.memory_space<vmem>>, vector<1000x128xf32>
    tpu.vector_store %arg6[%swap3A, %swap3A_32], %mul3A_31 {strides = array<i32>} : memref<1000x128xf32, #tpu.memory_space<vmem>>, vector<1000x128xf32>,
    return
  }
  func.func @transform_0(%arg0: i32) -> (i32, i32) {
    %c0_i32 = arith.constant 0 : i32
    %c0_i32_0 = arith.constant 0 : i32
    return %arg0, %c0_i32 : i32, i32
  }
  func.func @transform_1(%arg0: i32) -> (i32, i32) {
    %c0_i32 = arith.constant 0 : i32
    %c0_i32_0 = arith.constant 0 : i32
    %c0_i32_1 = arith.constant 0 : i32
    return %c0_i32, %c0_i32_0 : i32, i32
  }
  func.func @transform_2(%arg0: i32) -> (i32, i32) {
    %c0_i32 = arith.constant 0 : i32
    %c0_i32_0 = arith.constant 0 : i32
    %c0_i32_1 = arith.constant 0 : i32
    return %c0_i32, %c0_i32_0 : i32, i32
  }
  func.func @transform_3(%arg0: i32) -> (i32, i32) {
    %c0_i32 = arith.constant 0 : i32
    %c0_i32_0 = arith.constant 0 : i32
    %c0_i32_1 = arith.constant 0 : i32
    return %c0_i32, %c0_i32_0 : i32, i32
  }
  func.func @transform_4(%arg0: i32) -> (i32, i32) {
    %c0_i32 = arith.constant 0 : i32
    %c0_i32_0 = arith.constant 0 : i32
    %c0_i32_1 = arith.constant 0 : i32
    return %c0_i32, %c0_i32_0 : i32, i32
  }
  func.func @transform_5(%arg0: i32) -> (i32, i32) {
    %c0_i32 = arith.constant 0 : i32
    %c0_i32_0 = arith.constant 0 : i32
    return %arg0, %c0_i32 : i32, i32
  }
}

module attributes {stable_mosaic.version = 14 : i64} {
  func.func @_upd_body(%arg0: i32, %arg1: memref<1280x128xf32, #tpu.memory_space<vmem>>, %arg2: memref<1280x128xf32, #tpu.memory_space<vmem>>, %arg3: memref<1280x1xf32, #tpu.memory_space<vmem>>, %arg4: memref<128x128xf32, #tpu.memory_space<vmem>>, %arg5: memref<128x128xf32, #tpu.memory_space<vmem>>, %arg6: memref<1x128xf32, #tpu.memory_space<vmem>>, %arg7: memref<128x128xf32, #tpu.memory_space<vmem>>, %arg8: memref<1x128xf32, #tpu.memory_space<vmem>>, %arg9: memref<1x128xf32, #tpu.memory_space<vmem>>, %arg10: memref<1x128xf32, #tpu.memory_space<vmem>>, %arg11: memref<1280x128xf32, #tpu.memory_space<vmem>>) attributes {dimension_semantics = [#tpu.dimension_semantics<arbitrary>], iteration_bounds = array<i64: 250>, scalar_prefetch = 0 : i64, scratch_operands = 0 : i64, tpu.core_type = #tpu.core_type<tc>, window_params = [{transform_indices = @transform_0, window_bounds = array<i64: 1280, 128>}, {transform_indices = @transform_1, window_bounds = array<i64: 1280, 128>}, {transform_indices = @transform_2, window_bounds = array<i64: 1280, 1>}, {pipeline_mode = #tpu.pipeline_mode<synchronous>, transform_indices = @transform_3, window_bounds = array<i64: 128, 128>}, {pipeline_mode = #tpu.pipeline_mode<synchronous>, transform_indices = @transform_4, window_bounds = array<i64: 128, 128>}, {pipeline_mode = #tpu.pipeline_mode<synchronous>, transform_indices = @transform_5, window_bounds = array<i64: 1, 128>}, {pipeline_mode = #tpu.pipeline_mode<synchronous>, transform_indices = @transform_6, window_bounds = array<i64: 128, 128>}, {pipeline_mode = #tpu.pipeline_mode<synchronous>, transform_indices = @transform_7, window_bounds = array<i64: 1, 128>}, {pipeline_mode = #tpu.pipeline_mode<synchronous>, transform_indices = @transform_8, window_bounds = array<i64: 1, 128>}, {pipeline_mode = #tpu.pipeline_mode<synchronous>, transform_indices = @transform_9, window_bounds = array<i64: 1, 128>}, {transform_indices = @transform_10, window_bounds = array<i64: 1280, 128>}]} {
    %get3A = arith.constant 0 : index
    %get3A_0 = arith.constant 0 : index
    %get3A_1 = vector.load %arg1[%get3A, %get3A_0] : memref<1280x128xf32, #tpu.memory_space<vmem>>, vector<1280x128xf32>
    %get3A_2 = arith.constant 0 : index
    %get3A_3 = arith.constant 0 : index
    %get3A_4 = vector.load %arg3[%get3A_2, %get3A_3] : memref<1280x1xf32, #tpu.memory_space<vmem>>, vector<1280x1xf32>
    %get3A_5 = arith.constant 0 : index
    %get3A_6 = arith.constant 0 : index
    %get3A_7 = vector.load %arg2[%get3A_5, %get3A_6] : memref<1280x128xf32, #tpu.memory_space<vmem>>, vector<1280x128xf32>
    %max3A = arith.constant 1.000000e+00 : f32
    %max3A_8 = vector.broadcast %max3A : f32 to vector<1280x1xf32>
    %max3A_9 = arith.maximumf %get3A_4, %max3A_8 : vector<1280x1xf32>
    %div3A = vector.broadcast %max3A_9 : vector<1280x1xf32> to vector<1280x128xf32>
    %div3A_10 = arith.divf %get3A_7, %div3A : vector<1280x128xf32>
    %get3A_11 = arith.constant 0 : index
    %get3A_12 = arith.constant 0 : index
    %get3A_13 = vector.load %arg4[%get3A_11, %get3A_12] : memref<128x128xf32, #tpu.memory_space<vmem>>, vector<128x128xf32>
    %dot_general3A = arith.constant dense<0.000000e+00> : vector<1280x128xf32>
    %dot_general3A_14 = tpu.matmul %get3A_1, %get3A_13, %dot_general3A {dimension_numbers = #tpu.dot_dimension_numbers<[1], [0], [0], [1], [0, 0, 1, 1], [], []>, transpose_lhs_hint = false} : vector<1280x128xf32>, vector<128x128xf32>, vector<1280x128xf32> -> vector<1280x128xf32>
    %get3A_15 = arith.constant 0 : index
    %get3A_16 = arith.constant 0 : index
    %get3A_17 = vector.load %arg5[%get3A_15, %get3A_16] : memref<128x128xf32, #tpu.memory_space<vmem>>, vector<128x128xf32>
    %dot_general3A_18 = arith.constant dense<0.000000e+00> : vector<1280x128xf32>
    %dot_general3A_19 = tpu.matmul %div3A_10, %get3A_17, %dot_general3A_18 {dimension_numbers = #tpu.dot_dimension_numbers<[1], [0], [0], [1], [0, 0, 1, 1], [], []>, transpose_lhs_hint = false} : vector<1280x128xf32>, vector<128x128xf32>, vector<1280x128xf32> -> vector<1280x128xf32>
    %add3A = arith.addf %dot_general3A_14, %dot_general3A_19 : vector<1280x128xf32>
    %get3A_20 = arith.constant 0 : index
    %get3A_21 = arith.constant 0 : index
    %get3A_22 = vector.load %arg6[%get3A_20, %get3A_21] : memref<1x128xf32, #tpu.memory_space<vmem>>, vector<1x128xf32>
    %add3A_23 = vector.broadcast %get3A_22 : vector<1x128xf32> to vector<1280x128xf32>
    %add3A_24 = arith.addf %add3A, %add3A_23 : vector<1280x128xf32>
    %logistic3A = arith.negf %add3A_24 : vector<1280x128xf32>
    %logistic3A_25 = math.exp %logistic3A : vector<1280x128xf32>
    %logistic3A_26 = arith.constant 1.000000e+00 : f32
    %logistic3A_27 = vector.broadcast %logistic3A_26 : f32 to vector<1280x128xf32>
    %logistic3A_28 = arith.addf %logistic3A_27, %logistic3A_25 : vector<1280x128xf32>
    %logistic3A_29 = arith.divf %logistic3A_27, %logistic3A_28 : vector<1280x128xf32>
    %mul3A = arith.mulf %add3A_24, %logistic3A_29 : vector<1280x128xf32>
    %get3A_30 = arith.constant 0 : index
    %get3A_31 = arith.constant 0 : index
    %get3A_32 = vector.load %arg7[%get3A_30, %get3A_31] : memref<128x128xf32, #tpu.memory_space<vmem>>, vector<128x128xf32>
    %dot_general3A_33 = arith.constant dense<0.000000e+00> : vector<1280x128xf32>
    %dot_general3A_34 = tpu.matmul %mul3A, %get3A_32, %dot_general3A_33 {dimension_numbers = #tpu.dot_dimension_numbers<[1], [0], [0], [1], [0, 0, 1, 1], [], []>, transpose_lhs_hint = false} : vector<1280x128xf32>, vector<128x128xf32>, vector<1280x128xf32> -> vector<1280x128xf32>
    %get3A_35 = arith.constant 0 : index
    %get3A_36 = arith.constant 0 : index
    %get3A_37 = vector.load %arg8[%get3A_35, %get3A_36] : memref<1x128xf32, #tpu.memory_space<vmem>>, vector<1x128xf32>
    %add3A_38 = vector.broadcast %get3A_37 : vector<1x128xf32> to vector<1280x128xf32>
    %add3A_39 = arith.addf %dot_general3A_34, %add3A_38 : vector<1280x128xf32>
    %add3A_40 = arith.addf %get3A_1, %add3A_39 : vector<1280x128xf32>
    %reduce_sum3A = arith.constant dense<0.000000e+00> : vector<1280xf32>
    %reduce_sum3A_41 = vector.multi_reduction <add>, %add3A_40, %reduce_sum3A [1] : vector<1280x128xf32> to vector<1280xf32>
    %broadcast_in_dim3A = vector.shape_cast %reduce_sum3A_41 : vector<1280xf32> to vector<1280x1xf32>
    %div3A_42 = arith.constant 1.280000e+02 : f32
    %div3A_43 = vector.broadcast %div3A_42 : f32 to vector<1280x1xf32>
    %div3A_44 = arith.divf %broadcast_in_dim3A, %div3A_43 : vector<1280x1xf32>
    %sub3A = vector.broadcast %div3A_44 : vector<1280x1xf32> to vector<1280x128xf32>
    %sub3A_45 = arith.subf %add3A_40, %sub3A : vector<1280x128xf32>
    %sub3A_46 = vector.broadcast %div3A_44 : vector<1280x1xf32> to vector<1280x128xf32>
    %sub3A_47 = arith.subf %add3A_40, %sub3A_46 : vector<1280x128xf32>
    %mul3A_48 = arith.mulf %sub3A_45, %sub3A_47 : vector<1280x128xf32>
    %reduce_sum3A_49 = arith.constant dense<0.000000e+00> : vector<1280xf32>
    %reduce_sum3A_50 = vector.multi_reduction <add>, %mul3A_48, %reduce_sum3A_49 [1] : vector<1280x128xf32> to vector<1280xf32>
    %broadcast_in_dim3A_51 = vector.shape_cast %reduce_sum3A_50 : vector<1280xf32> to vector<1280x1xf32>
    %div3A_52 = arith.constant 1.280000e+02 : f32
    %div3A_53 = vector.broadcast %div3A_52 : f32 to vector<1280x1xf32>
    %div3A_54 = arith.divf %broadcast_in_dim3A_51, %div3A_53 : vector<1280x1xf32>
    %sub3A_55 = vector.broadcast %div3A_44 : vector<1280x1xf32> to vector<1280x128xf32>
    %sub3A_56 = arith.subf %add3A_40, %sub3A_55 : vector<1280x128xf32>
    %add3A_57 = arith.constant 9.99999974E-6 : f32
    %add3A_58 = vector.broadcast %add3A_57 : f32 to vector<1280x1xf32>
    %add3A_59 = arith.addf %div3A_54, %add3A_58 : vector<1280x1xf32>
    %rsqrt3A = math.rsqrt %add3A_59 : vector<1280x1xf32>
    %mul3A_60 = vector.broadcast %rsqrt3A : vector<1280x1xf32> to vector<1280x128xf32>
    %mul3A_61 = arith.mulf %sub3A_56, %mul3A_60 : vector<1280x128xf32>
    %get3A_62 = arith.constant 0 : index
    %get3A_63 = arith.constant 0 : index
    %get3A_64 = vector.load %arg9[%get3A_62, %get3A_63] : memref<1x128xf32, #tpu.memory_space<vmem>>, vector<1x128xf32>
    %mul3A_65 = vector.broadcast %get3A_64 : vector<1x128xf32> to vector<1280x128xf32>
    %mul3A_66 = arith.mulf %mul3A_61, %mul3A_65 : vector<1280x128xf32>
    %get3A_67 = arith.constant 0 : index
    %get3A_68 = arith.constant 0 : index
    %get3A_69 = vector.load %arg10[%get3A_67, %get3A_68] : memref<1x128xf32, #tpu.memory_space<vmem>>, vector<1x128xf32>
    %add3A_70 = vector.broadcast %get3A_69 : vector<1x128xf32> to vector<1280x128xf32>
    %add3A_71 = arith.addf %mul3A_66, %add3A_70 : vector<1280x128xf32>
    %swap3A = arith.constant 0 : index
    %swap3A_72 = arith.constant 0 : index
    %swap3A_73 = vector.load %arg11[%swap3A, %swap3A_72] : memref<1280x128xf32, #tpu.memory_space<vmem>>, vector<1280x128xf32>
    tpu.vector_store %arg11[%swap3A, %swap3A_72], %add3A_71 {strides = array<i32>} : memref<1280x128xf32, #tpu.memory_space<vmem>>, vector<1280x128xf32>,
    return
  }
  func.func @transform_0(%arg0: i32) -> (i32, i32) {
    %c0_i32 = arith.constant 0 : i32
    %c0_i32_0 = arith.constant 0 : i32
    return %arg0, %c0_i32 : i32, i32
  }
  func.func @transform_1(%arg0: i32) -> (i32, i32) {
    %c0_i32 = arith.constant 0 : i32
    %c0_i32_0 = arith.constant 0 : i32
    return %arg0, %c0_i32 : i32, i32
  }
  func.func @transform_2(%arg0: i32) -> (i32, i32) {
    %c0_i32 = arith.constant 0 : i32
    %c0_i32_0 = arith.constant 0 : i32
    return %arg0, %c0_i32 : i32, i32
  }
  func.func @transform_3(%arg0: i32) -> (i32, i32) {
    %c0_i32 = arith.constant 0 : i32
    %c0_i32_0 = arith.constant 0 : i32
    %c0_i32_1 = arith.constant 0 : i32
    return %c0_i32, %c0_i32_0 : i32, i32
  }
  func.func @transform_4(%arg0: i32) -> (i32, i32) {
    %c0_i32 = arith.constant 0 : i32
    %c0_i32_0 = arith.constant 0 : i32
    %c0_i32_1 = arith.constant 0 : i32
    return %c0_i32, %c0_i32_0 : i32, i32
  }
  func.func @transform_5(%arg0: i32) -> (i32, i32) {
    %c0_i32 = arith.constant 0 : i32
    %c0_i32_0 = arith.constant 0 : i32
    %c0_i32_1 = arith.constant 0 : i32
    return %c0_i32, %c0_i32_0 : i32, i32
  }
  func.func @transform_6(%arg0: i32) -> (i32, i32) {
    %c0_i32 = arith.constant 0 : i32
    %c0_i32_0 = arith.constant 0 : i32
    %c0_i32_1 = arith.constant 0 : i32
    return %c0_i32, %c0_i32_0 : i32, i32
  }
  func.func @transform_7(%arg0: i32) -> (i32, i32) {
    %c0_i32 = arith.constant 0 : i32
    %c0_i32_0 = arith.constant 0 : i32
    %c0_i32_1 = arith.constant 0 : i32
    return %c0_i32, %c0_i32_0 : i32, i32
  }
  func.func @transform_8(%arg0: i32) -> (i32, i32) {
    %c0_i32 = arith.constant 0 : i32
    %c0_i32_0 = arith.constant 0 : i32
    %c0_i32_1 = arith.constant 0 : i32
    return %c0_i32, %c0_i32_0 : i32, i32
  }
  func.func @transform_9(%arg0: i32) -> (i32, i32) {
    %c0_i32 = arith.constant 0 : i32
    %c0_i32_0 = arith.constant 0 : i32
    %c0_i32_1 = arith.constant 0 : i32
    return %c0_i32, %c0_i32_0 : i32, i32
  }
  func.func @transform_10(%arg0: i32) -> (i32, i32) {
    %c0_i32 = arith.constant 0 : i32
    %c0_i32_0 = arith.constant 0 : i32
    return %arg0, %c0_i32 : i32, i32
  }
}

</mosaic_0001>

<sc_bundles>
// kernel: gather_offload_async_start.1
scs
__scs_entry_jumppad:
0x0: {  	(pc) =	sbr.rel $0x88, $3  }
0x1: {  	(tag) =	ssettag $0x0;
	lr =	simm.s32 $0x1  }
0x2: {  	[smem:$0x3F93] =	sst lr;
	_ =	strace $0xD0000000  }
0x3: {  	_ = 	snop  }
0x4: {  	_ = 	snop  }
0x5: {  	_ = 	snop  }
0x6: {  	_ = 	snop  }
0x7: {  	_ = 	snop  }
__scs_overlays_trampoline_lowered:
0x8: {  	[smem:$0x3FA2] =	sst s0  }
0x9: {  	[smem:$0x3FA3] =	sst s1  }
0xa: {  	[smem:$0x3FA4] =	sst s2  }
0xb: {  	[smem:$0x3FA5] =	sst s3  }
0xc: {  	[smem:$0x3FA6] =	sst s4  }
0xd: {  	[smem:$0x3FA7] =	sst s5  }
0xe: {  	[smem:$0x3FA8] =	sst s6  }
0xf: {  	[smem:$0x3FA9] =	sst s7  }
0x10: {  	[smem:$0x3FAA] =	sst s8  }
0x11: {  	[smem:$0x3FAB] =	sst s9;
	s0 =	simm.s32 @!p0 $0x0  }
0x12: {  	s1 =	sld [smem:$0x3F91];
	s0 =	simm.s32 @p0 $0x1  }
0x13: {  	[smem:$0x3FAC] =	sst s0;
	s0 =	simm.s32 @!p1 $0x0  }
0x14: {  	s2 =	sld [smem:$0x3F90];
	s0 =	simm.s32 @p1 $0x1  }
0x15: {  	[smem:$0x3FAD] =	sst s0;
	s0 =	simm.s32 @!p2 $0x0  }
0x16: {  	s3 =	sld [smem:$0x3FDB];
	s0 =	simm.s32 @p2 $0x1  }
0x17: {  	s4 =	simm.s32 $0x1BF5;
	[smem:$0x3FAF] =	sst s0  }
0x18: {  	s0 =	sld [smem:$0x3F92];
	_ =	swait.ge [sflag:s4], $0x0  }
0x19: {  	s7 =	sld [smem:$0x3F93]  }
0x1a: {  	s8 =	sadd.s32 $0xFFFFE003, lr  }
0x1b: {  	s9 =	sadd.s32 $0xFFFFFEF7, lr;
	s5 =	simm.s32 $0xFFFFFFFF;
	p2 =	slt.u32 s8, $0xFFFFF086  }
0x1c: {  	p1 =	slt.u32 s9, $0xF7A;
	s5 =	simm.s32 @!p2 $0x0  }
0x1d: {  	s5 =	simm.s32 @p1 $0x1;
	p0 =	seq.s32 s7, s2  }
0x1e: {  	s7 =	smul.u32 @!p0 $0xF7A, s2;
	p2 =	seq.s32 @!p0 s5, $0x0  }
0x1f: {  	s9 =	smul.u32 $0xF7A, s1;
	s8 =	simm.s32 @!p0 $0x1BF5;
	p2 =	por !p2, p0  }
0x20: {  	[sflag:s8] =	ssyncset.s32 @!p0 $0xFFFFF086;
	s6 =	sadd.s32 @!p0 s3, s7;
	s7 =	simm.s32 @!p0 $0x108  }
0x21: {  	s3 =	sadd.s32 s3, s9;
	s6 =	sadd.s32 @!p0 $0x88, s6;
	s7 =	simm.s32 @p2 $0x1082  }
0x22: {  	[simem:s7], [sflag:s8] =	dma.local @!p0 [hbm:s6], $0xF7A  }
0x23: {  	s9 =	sor.u32 $0xD0000000, s2;
	s6 =	simm.s32 $0x108;
	_ =	swait.ge @!p0 [sflag:s8], $0x0  }
0x24: {  	s3 =	sadd.s32 $0x88, s3;
	s6 =	simm.s32 @!p1 $0x1082;
	[sflag:s4] =	ssyncset.s32 $0xFFFFF086  }
0x25: {  	[simem:s6], [sflag:s4] =	dma.local [hbm:s3], $0xF7A  }
0x26: {  	[smem:$0x3F93] =	sst s1;
	(tag) =	ssettag s2;
	_ =	strace s9  }
0x27: {  	s1 =	sld [smem:$0x3FA3]  }
0x28: {  	s2 =	sld [smem:$0x3FA4]  }
0x29: {  	s4 =	sld [smem:$0x3FA6]  }
0x2a: {  	p0 =	seq.s32 s5, $0x0;
	s5 =	sld [smem:$0x3FA7]  }
0x2b: {  	s6 =	sld [smem:$0x3FA8]  }
0x2c: {  	s7 =	sld [smem:$0x3FA9]  }
0x2d: {  	s3 =	simm.s32 $0x108;
	s8 =	sld [smem:$0x3FAA]  }
0x2e: {  	s3 =	simm.s32 @!p0 $0x1082;
	s9 =	sld [smem:$0x3FAB]  }
0x2f: {  	lr =	sadd.s32 s0, s3;
	s0 =	sld [smem:$0x3FA2]  }
0x30: {  	s3 =	sld [smem:$0x3FA5]  }
0x31: {  	[smem:$0x3FAE] =	sst s10  }
0x32: {  	s10 =	sld [smem:$0x3FAC];
	_ =	sdelay $0x3  }
0x33: {  	p0 =	seq.s32 s10, $0x1;
	s10 =	sld [smem:$0x3FAE];
	_ =	sdelay $0x3  }
0x34: {  	[smem:$0x3FAE] =	sst s10  }
0x35: {  	s10 =	sld [smem:$0x3FAD];
	_ =	sdelay $0x3  }
0x36: {  	p1 =	seq.s32 s10, $0x1;
	s10 =	sld [smem:$0x3FAE];
	_ =	sdelay $0x3  }
0x37: {  	[smem:$0x3FAE] =	sst s10  }
0x38: {  	s10 =	sld [smem:$0x3FAF]  }
0x39: {  	_ = 	snop;
	(pc) =	sbr.ind lr, $3  }
0x3a: {  	_ = 	snop  }
0x3b: {  	_ = 	snop  }
0x3c: {  	p2 =	seq.s32 s10, $0x1;
	s10 =	sld [smem:$0x3FAE]  }
0x3d: {  	_ =	shalt  }
0x3e: {  	_ =	shalt  }
0x3f: {  	_ =	shalt  }
0x40: {  	_ =	shalt  }
0x41: {  	_ =	shalt  }
0x42: {  	_ =	shalt  }
0x43: {  	_ =	shalt  }
0x44: {  	_ =	shalt  }
0x45: {  	_ =	shalt  }
0x46: {  	_ =	shalt  }
0x47: {  	_ =	shalt  }
0x48: {  	_ =	shalt  }
0x49: {  	_ =	shalt  }
0x4a: {  	_ =	shalt  }
0x4b: {  	_ =	shalt  }
0x4c: {  	_ =	shalt  }
0x4d: {  	_ =	shalt  }
0x4e: {  	_ =	shalt  }
0x4f: {  	_ =	shalt  }
0x50: {  	_ =	shalt  }
0x51: {  	_ =	shalt  }
0x52: {  	_ =	shalt  }
0x53: {  	_ =	shalt  }
0x54: {  	_ =	shalt  }
0x55: {  	_ =	shalt  }
0x56: {  	_ =	shalt  }
0x57: {  	_ =	shalt  }
0x58: {  	_ =	shalt  }
0x59: {  	_ =	shalt  }
0x5a: {  	_ =	shalt  }
0x5b: {  	_ =	shalt  }
0x5c: {  	_ =	shalt  }
0x5d: {  	_ =	shalt  }
0x5e: {  	_ =	shalt  }
0x5f: {  	_ =	shalt  }
0x60: {  	_ =	shalt  }
0x61: {  	_ =	shalt  }
0x62: {  	_ =	shalt  }
0x63: {  	_ =	shalt  }
0x64: {  	_ =	shalt  }
0x65: {  	_ =	shalt  }
0x66: {  	_ =	shalt  }
0x67: {  	_ =	shalt  }
0x68: {  	_ =	shalt  }
0x69: {  	_ =	shalt  }
0x6a: {  	_ =	shalt  }
0x6b: {  	_ =	shalt  }
0x6c: {  	_ =	shalt  }
0x6d: {  	_ =	shalt  }
0x6e: {  	_ =	shalt  }
0x6f: {  	_ =	shalt  }
0x70: {  	_ =	shalt  }
0x71: {  	_ =	shalt  }
0x72: {  	_ =	shalt  }
0x73: {  	_ =	shalt  }
0x74: {  	_ =	shalt  }
0x75: {  	_ =	shalt  }
0x76: {  	_ =	shalt  }
0x77: {  	_ =	shalt  }
0x78: {  	_ =	shalt  }
0x79: {  	_ =	shalt  }
0x7a: {  	_ =	shalt  }
0x7b: {  	_ =	shalt  }
0x7c: {  	_ =	shalt  }
0x7d: {  	_ =	shalt  }
0x7e: {  	_ =	shalt  }
0x7f: {  	_ =	shalt  }
0x80: {  	_ =	shalt  }
0x81: {  	_ =	shalt  }
0x82: {  	_ =	shalt  }
0x83: {  	_ =	shalt  }
0x84: {  	_ =	shalt  }
0x85: {  	_ =	shalt  }
0x86: {  	_ =	shalt  }
0x87: {  	_ =	shalt  }
.Lfunc_end0:
.L_simem_size_0:
called_computation.4_lowered:
.L_overlay_start_0:
0x88: {  	s2 =	sld [smem:$0x3FD9]  }
0x89: {  	s3 =	sld [smem:$0x3FFE];
	_ =	sdelay $0x1  }
0x8a: {  	s1 =	srdreg.scid  }
0x8b: {  	s0 =	sand.u32 $0x1, s1  }
0x8c: {  	s16 =	sshll.u32 s0, $0xA;
	s2 =	sadd.s32 s3, s2  }
0x8d: {  	s2 =	sadd.s32 s2, s16  }
0x8e: {  	[smem:$0x3FBA] =	sst s2  }
0x8f: {  	_ = 	snop  }
0x90: {  	(tm) =	ssettm $0x1  }
0x91: {  	s17 =	sld [smem:$0x3FFB];
	_ =	sdelay $0x3  }
0x92: {  	_ =	strace s17  }
0x93: {  	s2 =	sld [smem:$0x3FFC];
	_ =	sdelay $0x3  }
0x94: {  	_ =	strace s2  }
0x95: {  	s2 =	sld [smem:$0x3FFD];
	_ =	sdelay $0x3  }
0x96: {  	_ =	strace s2  }
0x97: {  	_ =	strace $0x8FFFFFFF  }
0x98: {  	s18 =	sld [smem:$0x3FDB];
	_ =	sdelay $0x1  }
0x99: {  	s19 =	simm.s32 $_scs_section_size  }
0x9a: {  	s4 =	simm.s32 $_size__tile_overlayer_lowered;
	s5 =	simm.s32 $_tile_overlayer_lowered  }
0x9b: {  	s22 =	simm.s32 $0x1BFF;
	s21 =	sshll.u32 s5, $0x1;
	s2 =	sadd.s32 s19, s18  }
0x9c: {  	s6 =	simm.s32 $0x0;
	s20 =	sshll.u32 s4, $0x1;
	s4 =	sadd.s32 s21, s2  }
0x9d: {  	[timem:s6], [sflag:s22] =	dma.local [hbm:s4], s20  }
0x9e: {  	_ =	swait.ge [sflag:s22], s20  }
0x9f: {  	s3 =	ssub.s32 $0x0, s20;
	[sflag:s22] =	ssyncset.done $0x0  }
0xa0: {  	[sflag:s22] =	ssyncadd.s32 s3;
	_ =	sdelay $0x1  }
0xa1: {  	s23 =	simm.s32 $0x1B8B  }
0xa2: {  	_ =	swait.ge [sflag:s23], $0x1  }
0xa3: {  	[sflag:s23] =	ssyncset.done $0x0  }
0xa4: {  	s25 =	simm.s32 $0x1B8E;
	s24 =	sld [smem:$0x3FFE];
	[sflag:s23] =	ssyncadd.s32 $0xFFFFFFFF  }
0xa5: {  	s26 =	simm.s32 $execute0_lowered;
	[smem:$0x3FD2] =	sst s25  }
0xa6: {  	s4 =	sshll.u32 s26, $0x1;
	_ =	strace $0x80000046;
	[dreg:$0x1] =	wrdreg $0xFFFFFFFF  }
0xa7: {  	s28 =	simm.s32 $_size_execute0_lowered;
	s2 =	sadd.s32 s2, s4;
	[dreg:$0x0] =	wrdreg $0x0  }
0xa8: {  	s4 =	sshll.u32 s28, $0x1;
	[dreg:$0x2] =	wrdreg s2  }
0xa9: {  	[dreg:$0x3] =	wrdreg s4  }
0xaa: {  	[dreg:$0x4] =	wrdreg $0xC0  }
0xab: {  	_ =	task [dreg:s6], $0x5FFFF  }
0xac: {  	[dreg:$0x1] =	wrdreg $0xFFFFFFFF  }
0xad: {  	[dreg:$0x0] =	wrdreg $0x60  }
0xae: {  	[dreg:$0x2] =	wrdreg s24  }
0xaf: {  	[dreg:$0x3] =	wrdreg $0x9  }
0xb0: {  	_ =	task.clear_ibuf [dreg:s6], $0x4FFFF;
	_ =	strace $0x90000046  }
0xb1: {  	s29 =	simm.s32 $0x9;
	_ =	strace $0x80000048  }
0xb2: {  	_ =	swait.ge [sflag:s29], $0x1  }
0xb3: {  	[sflag:s29] =	ssyncadd.s32 $0xFFFFFFFF  }
0xb4: {  	_ =	strace $0x90000048  }
0xb5: {  	_ =	sfence  }
0xb6: {  	s30 =	sld [smem:$0x0];
	_ =	sdelay $0x2  }
0xb7: {  	s31 =	sshll.u32 s1, $0xD;
	s1 =	sshrl.u32 s1, $0x2  }
0xb8: {  	s3 =	sand.u32 $0x4000, s31;
	s1 =	sadd.s32 s1, s30  }
0xb9: {  	s0 =	sor.u32 s3, s0;
	s1 =	sshll.u32 s1, $0x11  }
0xba: {  	s0 =	sor.u32 s1, s0  }
0xbb: {  	s0 =	sadd.s32 $0x8F2B, s0  }
0xbc: {  	[sflag:s0] =	ssyncadd.remote.s32 $0x1  }
0xbd: {  	_ =	sfence.sel $0xFFFF  }
0xbe: {  	[dreg:$0x0] =	wrdreg $0xFFFFFFFF;
	(pc) =	sbr.abs _section_cstart, $3  }
0xbf: {  	[dreg:$0x1] =	wrdreg $0xFFFFFFFF  }
0xc0: {  	_ =	task.clear_ibuf [dreg:s6], $0x2FFFF;
	_ =	strace $0x9FFFFFFF  }
0xc1: {  	(tm) =	ssettm $0x7FFFFFFF  }
tec
execute0_lowered:
.L_overlay_start_1:
0x0: {  	(tag) =	ssettag $0x1  }
0x1: {  	s8 =	rddreg [dreg:$0x0]  }
0x2: {  	s0 =	rddreg [dreg:$0x1];
	_ =	strace $0x80000047;
	s1 =	stileid.u32  }
0x3: {  	s3 =	srdreg.scid;
	s4 =	simm.s32 $0x1;
	s7 =	simm.s32 $0x1  }
0x4: {  	s9 =	simm.s32 $0x1;
	s10 =	simm.s32 $0x3;
	s13 =	simm.s32 $0x0  }
0x5: {  	s12 =	simm.s32 $0x0;
	s5 =	sand.u32 $0x1, s3;
	s6 =	sshll.u32 s1, $0x1  }
0x6: {  	s2 =	sadd.s32 $0x200, s8;
	s3 =	sadd.s32 $0x26600, s8;
	s5 =	sor.u32 s6, s5  }
.Ltmp0:
0x7: {  	[sflag:s4] =	ssyncpa.u1 $0x0;
	p0 =	slt.u32 s5, $0x13;
	(pc) =	sbr.rel .LBB2_1-.Ltmp0, $4  }
0x8: {  	s6 =	simm.s32 $0x2;
	s7 =	simm.s32 @!p0 $0x0;
	p0 =	sne.s32 s5, $0x12  }
0x9: {  	[sflag:s6] =	ssyncpa.u1 $0x0;
	s5 =	smul.u32 $0x1770, s5;
	s9 =	simm.s32 @!p0 $0x0  }
0xa: {  	s8 =	sadd.s32 $0x4C3800, s8;
	[sflag:s10] =	ssyncpa.u1 $0x0;
	s7 =	sadd.s32 s9, s7  }
0xb: {  	vm0 =	vmmov $0xffff;
	s10 =	simm.s32 $0x0;
	s11 =	smov.u32 s5;
	s9 =	sadd.s32 $0x1, s7  }
.LBB2_4:
0xc: {  	v2 =	vnsel vm1, $0x0, v2  }
0xd: {  	vm1 =	vgt.s32 v0, $0x0;
	v2 =	vmin.u32 v2, $0x4E1FF  }
0xe: {  	v0 =	vnsel vm1, $0x0, v0  }
0xf: {  	v0 =	vmin.u32 v0, $0x4E1FF  }
0x10: {  	[tilespmem:s18], [sflag:$0x1] =	stream.indirect_vreg.gather [hbm4b:s2+s10], $0x1, v1, vm0, $0x4038;
	[tilespmem:$0x5DC0] =	vst v63  }
0x11: {  	(ifvalue) =	ssetifvalue $0x7FFFFFFF  }
0x12: {  	[tilespmem:s15], [sflag:$0x1] =	stream.indirect_vreg.gather [hbm4b:s2+s10], $0x1, v2, vm0, $0x4038;
	[tilespmem:$0x5DC0] =	vst v63  }
0x13: {  	s29 =	sadd.s32 $0x10, s15;
	(ifvalue) =	ssetifvalue $0x7FFFFFFF  }
0x14: {  	[tilespmem:s29], [sflag:$0x1] =	stream.indirect_vreg.gather [hbm4b:s2+s10], $0x1, v0, vm0, $0x4038;
	[tilespmem:$0x5DC0] =	vst v63  }
0x15: {  	_ =	swait.ge [sflag:s4], $0x1770  }
0x16: {  	s30 =	sshrl.u32 s13, $0x3;
	[sflag:s4] =	ssyncset.done $0x0  }
0x17: {  	s31 =	sand.u32 $0x7, s13;
	s15 =	sadd.s32 s8, s30;
	[sflag:s4] =	ssyncadd.s32 $0xFFFFE890  }
0x18: {  	[hbm4b:s15+s31] =	stream.linear.scatter [tilespmem:s14], [sflag:$0x3], $0x1770, $0x38;
	[tilespmem:$0x5DC0] =	vst v63  }
.LBB2_5:
0x19: {  	s15 =	sadd.s32 $0x2EE00, s11  }
0x1a: {  	p1 =	sgt.s32 s15, $0x493DF  }
0x1b: {  	s15 =	smov.u32 @p1 s5;
	p1 =	sne.s32 s12, s9  }
.Ltmp1:
0x1c: {  	p0 =	slt.u32 s12, $0x2;
	(pc) =	sbr.rel @!p1 .LBB2_6-.Ltmp1, $4  }
0x1d: {  	s14 =	simm.s32 @!p0 $0x3  }
0x1e: {  	_ =	swait.ge @!p0 [sflag:s14], $0x1770  }
0x1f: {  	s16 =	sadd.s32 $0x1, s12;
	s13 =	smov.u32 s11;
	[sflag:s14] =	ssyncset.done @!p0 $0x0  }
0x20: {  	s12 =	smov.u32 s16;
	s11 =	smov.u32 s15;
	[sflag:s14] =	ssyncadd.s32 @!p0 $0xFFFFE890  }
.LBB2_1:
0x21: {  	p0 =	sge.u32 s12, s7  }
0x22: {  	s14 =	sxor.u32 @!p0 $0x1, s12  }
0x23: {  	s14 =	smul.u32 @!p0 $0x5DC0, s14  }
0x24: {  	s31 =	sadd.s32 $0xFFFFFFFF, s12;
	s15 =	sshrl.u32 @!p0 s11, $0x3  }
0x25: {  	s16 =	sand.u32 @!p0 $0x7, s11;
	s15 =	sadd.s32 @!p0 s3, s15;
	s14 =	sshra.s32 @!p0 s14, $0x2  }
0x26: {  	[tilespmem:s14], [sflag:$0x2] =	stream.linear.gather @!p0 [hbm4b:s15+s16], $0x1770, $0x38;
	[tilespmem:$0x5DC0] =	vst v63  }
0x27: {  	p0 =	sge.u32 s31, s7  }
.Ltmp2:
0x28: {  	_ = 	snop;
	(pc) =	sbr.rel @p0 .LBB2_5-.Ltmp2, $1  }
0x29: {  	_ =	sdelay $0x3  }
0x2a: {  	s14 =	sand.u32 $0x1, s12  }
0x2b: {  	_ =	swait.ge [sflag:s6], $0x1770;
	p0 =	seq.s32 s14, $0x1;
	s14 =	simm.s32 $0x1770  }
0x2c: {  	[sflag:s6] =	ssyncset.done $0x0;
	s14 =	simm.s32 @!p0 $0x0  }
0x2d: {  	[sflag:s6] =	ssyncadd.s32 $0xFFFFE890;
	(ifvalue) =	ssetifvalue $0x7FFFFFFF;
	v0 =	vld.msk [tilespmem:s14+$0x0 ss:$0x1], $0xffff;
	_ =	sdelay $0x4  }
0x2e: {  	s15 =	sadd.s32 $0x10, s14;
	vm1 =	vgt.s32 v0, $0x0  }
0x2f: {  	v2 =	vld.msk [tilespmem:s15+$0x0 ss:$0x1], $0xffff;
	v1 =	vnsel vm1, $0x0, v0  }
0x30: {  	v1 =	vmin.u32 v1, $0x4E1FF;
	_ =	sdelay $0x2  }
0x31: {  	s17 =	simm.s32 $0x20;
	s14 =	sadd.s32 $0x2EE0, s14;
	s16 =	sadd.s32 $0x10, s15  }
0x32: {  	s15 =	sadd.s32 $0x10, s14;
	s18 =	smov.u32 s14;
	v0 =	vld.msk [tilespmem:s16+$0x0 ss:$0x1], $0xffff;
	vm1 =	vgt.s32 v2, $0x0;
	(ifvalue) =	ssetifvalue $0x7FFFFFFF  }
.LBB2_3:
0x33: {  	[tilespmem:s18], [sflag:$0x1] =	stream.indirect_vreg.gather [hbm4b:s2+s10], $0x1, v1, vm0, $0x4038;
	[tilespmem:$0x5DC0] =	vst v63  }
0x34: {  	s17 =	sadd.s32 $0x10, s17  }
0x35: {  	v2 =	vnsel vm1, $0x0, v2;
	p0 =	slt.u32 s17, $0x1760  }
.Ltmp3:
0x36: {  	s18 =	smov.u32 s15;
	v1 =	vmin.u32 v2, $0x4E1FF;
	(pc) =	sbr.rel @p0 .LBB2_3-.Ltmp3, $3  }
0x37: {  	_ =	sdelay $0x1  }
0x38: {  	s16 =	sadd.s32 $0x10, s16  }
0x39: {  	vm1 =	vgt.s32 v0, $0x0;
	s15 =	sadd.s32 $0x10, s15;
	v2 =	vmov v0;
	(ifvalue) =	ssetifvalue $0x7FFFFFFF;
	v0 =	vld.msk [tilespmem:s16+$0x0 ss:$0x1], $0xffff  }
.Ltmp4:
0x3a: {  	_ = 	snop;
	(pc) =	sbr.rel .LBB2_4-.Ltmp4, $1  }
0x3b: {  	_ =	sdelay $0x3  }
.LBB2_6:
0x3c: {  	_ =	sfence.sel $0x180000  }
0x3d: {  	s2 =	simm.s32 $0x2;
	[bflag:$0x0] =	sbarrier.arrive $0xFFFF  }
0x3e: {  	s30 =	simm.s32 $0x3;
	[sflag:s2] =	ssyncpa.u1 $0x1  }
0x3f: {  	s31 =	simm.s32 $0x1;
	[sflag:s30] =	ssyncpa.u1 $0x1  }
0x40: {  	[sflag:s31] =	ssyncpa.u1 $0x1  }
0x41: {  	p0 =	sne.s32 s1, $0x0;
	_ =	strace $0x90000047  }
0x42: {  	s0 =	sadd.s32 @!p0 $0x100000, s0;
	[bflag:$0x2] =	sbarrier.arrive $0xFFFF  }
0x43: {  	[sflag:s0] =	ssyncadd.tile.s32 @!p0 $0x1;
	_ =	shalt  }
.Lfunc_end2:
_tile_overlayer_lowered:
.L_overlay_start_2:
0x44: {  	(tag) =	ssettag $0x2  }
0x45: {  	s0 =	rddreg [dreg:$0x0];
	s2 =	stileid.u32  }
0x46: {  	s1 =	rddreg [dreg:$0x1];
	p0 =	sne.s32 s2, $0x0  }
0x47: {  	s3 =	rddreg [dreg:$0x2];
	[bflag:$0x3] =	sbarrier.arrive $0xFFFF;
	s2 =	simm.s32 @!p0 $0x1C01  }
0x48: {  	[timem:s3], [sflag:s2] =	dma.local @!p0 [hbm:s0], s1  }
0x49: {  	s0 =	simm.s32 @!p0 $0x1  }
0x4a: {  	_ =	swait.ge @!p0 [sflag:s0], s1  }
0x4b: {  	s1 =	ssub.s32 @!p0 $0x0, s1;
	[sflag:s0] =	ssyncset.done @!p0 $0x0  }
0x4c: {  	[sflag:s0] =	ssyncadd.s32 @!p0 s1  }
0x4d: {  	[bflag:$0x3] =	sbarrier.arrive $0xFFFF  }
0x4e: {  	_ =	shalt  }

// kernel: gather_offload_async_start.2
scs
__scs_entry_jumppad:
0x0: {  	(pc) =	sbr.rel $0x88, $3  }
0x1: {  	(tag) =	ssettag $0x0;
	lr =	simm.s32 $0x1  }
0x2: {  	[smem:$0x3F93] =	sst lr;
	_ =	strace $0xD0000000  }
0x3: {  	_ = 	snop  }
0x4: {  	_ = 	snop  }
0x5: {  	_ = 	snop  }
0x6: {  	_ = 	snop  }
0x7: {  	_ = 	snop  }
__scs_overlays_trampoline_lowered:
0x8: {  	[smem:$0x3FA2] =	sst s0  }
0x9: {  	[smem:$0x3FA3] =	sst s1  }
0xa: {  	[smem:$0x3FA4] =	sst s2  }
0xb: {  	[smem:$0x3FA5] =	sst s3  }
0xc: {  	[smem:$0x3FA6] =	sst s4  }
0xd: {  	[smem:$0x3FA7] =	sst s5  }
0xe: {  	[smem:$0x3FA8] =	sst s6  }
0xf: {  	[smem:$0x3FA9] =	sst s7  }
0x10: {  	[smem:$0x3FAA] =	sst s8  }
0x11: {  	[smem:$0x3FAB] =	sst s9;
	s0 =	simm.s32 @!p0 $0x0  }
0x12: {  	s1 =	sld [smem:$0x3F91];
	s0 =	simm.s32 @p0 $0x1  }
0x13: {  	[smem:$0x3FAC] =	sst s0;
	s0 =	simm.s32 @!p1 $0x0  }
0x14: {  	s2 =	sld [smem:$0x3F90];
	s0 =	simm.s32 @p1 $0x1  }
0x15: {  	[smem:$0x3FAD] =	sst s0;
	s0 =	simm.s32 @!p2 $0x0  }
0x16: {  	s3 =	sld [smem:$0x3FDB];
	s0 =	simm.s32 @p2 $0x1  }
0x17: {  	s4 =	simm.s32 $0x1BF5;
	[smem:$0x3FAF] =	sst s0  }
0x18: {  	s0 =	sld [smem:$0x3F92];
	_ =	swait.ge [sflag:s4], $0x0  }
0x19: {  	s7 =	sld [smem:$0x3F93]  }
0x1a: {  	s8 =	sadd.s32 $0xFFFFE003, lr  }
0x1b: {  	s9 =	sadd.s32 $0xFFFFFEF7, lr;
	s5 =	simm.s32 $0xFFFFFFFF;
	p2 =	slt.u32 s8, $0xFFFFF086  }
0x1c: {  	p1 =	slt.u32 s9, $0xF7A;
	s5 =	simm.s32 @!p2 $0x0  }
0x1d: {  	s5 =	simm.s32 @p1 $0x1;
	p0 =	seq.s32 s7, s2  }
0x1e: {  	s7 =	smul.u32 @!p0 $0xF7A, s2;
	p2 =	seq.s32 @!p0 s5, $0x0  }
0x1f: {  	s9 =	smul.u32 $0xF7A, s1;
	s8 =	simm.s32 @!p0 $0x1BF5;
	p2 =	por !p2, p0  }
0x20: {  	[sflag:s8] =	ssyncset.s32 @!p0 $0xFFFFF086;
	s6 =	sadd.s32 @!p0 s3, s7;
	s7 =	simm.s32 @!p0 $0x108  }
0x21: {  	s3 =	sadd.s32 s3, s9;
	s6 =	sadd.s32 @!p0 $0x88, s6;
	s7 =	simm.s32 @p2 $0x1082  }
0x22: {  	[simem:s7], [sflag:s8] =	dma.local @!p0 [hbm:s6], $0xF7A  }
0x23: {  	s9 =	sor.u32 $0xD0000000, s2;
	s6 =	simm.s32 $0x108;
	_ =	swait.ge @!p0 [sflag:s8], $0x0  }
0x24: {  	s3 =	sadd.s32 $0x88, s3;
	s6 =	simm.s32 @!p1 $0x1082;
	[sflag:s4] =	ssyncset.s32 $0xFFFFF086  }
0x25: {  	[simem:s6], [sflag:s4] =	dma.local [hbm:s3], $0xF7A  }
0x26: {  	[smem:$0x3F93] =	sst s1;
	(tag) =	ssettag s2;
	_ =	strace s9  }
0x27: {  	s1 =	sld [smem:$0x3FA3]  }
0x28: {  	s2 =	sld [smem:$0x3FA4]  }
0x29: {  	s4 =	sld [smem:$0x3FA6]  }
0x2a: {  	p0 =	seq.s32 s5, $0x0;
	s5 =	sld [smem:$0x3FA7]  }
0x2b: {  	s6 =	sld [smem:$0x3FA8]  }
0x2c: {  	s7 =	sld [smem:$0x3FA9]  }
0x2d: {  	s3 =	simm.s32 $0x108;
	s8 =	sld [smem:$0x3FAA]  }
0x2e: {  	s3 =	simm.s32 @!p0 $0x1082;
	s9 =	sld [smem:$0x3FAB]  }
0x2f: {  	lr =	sadd.s32 s0, s3;
	s0 =	sld [smem:$0x3FA2]  }
0x30: {  	s3 =	sld [smem:$0x3FA5]  }
0x31: {  	[smem:$0x3FAE] =	sst s10  }
0x32: {  	s10 =	sld [smem:$0x3FAC];
	_ =	sdelay $0x3  }
0x33: {  	p0 =	seq.s32 s10, $0x1;
	s10 =	sld [smem:$0x3FAE];
	_ =	sdelay $0x3  }
0x34: {  	[smem:$0x3FAE] =	sst s10  }
0x35: {  	s10 =	sld [smem:$0x3FAD];
	_ =	sdelay $0x3  }
0x36: {  	p1 =	seq.s32 s10, $0x1;
	s10 =	sld [smem:$0x3FAE];
	_ =	sdelay $0x3  }
0x37: {  	[smem:$0x3FAE] =	sst s10  }
0x38: {  	s10 =	sld [smem:$0x3FAF]  }
0x39: {  	_ = 	snop;
	(pc) =	sbr.ind lr, $3  }
0x3a: {  	_ = 	snop  }
0x3b: {  	_ = 	snop  }
0x3c: {  	p2 =	seq.s32 s10, $0x1;
	s10 =	sld [smem:$0x3FAE]  }
0x3d: {  	_ =	shalt  }
0x3e: {  	_ =	shalt  }
0x3f: {  	_ =	shalt  }
0x40: {  	_ =	shalt  }
0x41: {  	_ =	shalt  }
0x42: {  	_ =	shalt  }
0x43: {  	_ =	shalt  }
0x44: {  	_ =	shalt  }
0x45: {  	_ =	shalt  }
0x46: {  	_ =	shalt  }
0x47: {  	_ =	shalt  }
0x48: {  	_ =	shalt  }
0x49: {  	_ =	shalt  }
0x4a: {  	_ =	shalt  }
0x4b: {  	_ =	shalt  }
0x4c: {  	_ =	shalt  }
0x4d: {  	_ =	shalt  }
0x4e: {  	_ =	shalt  }
0x4f: {  	_ =	shalt  }
0x50: {  	_ =	shalt  }
0x51: {  	_ =	shalt  }
0x52: {  	_ =	shalt  }
0x53: {  	_ =	shalt  }
0x54: {  	_ =	shalt  }
0x55: {  	_ =	shalt  }
0x56: {  	_ =	shalt  }
0x57: {  	_ =	shalt  }
0x58: {  	_ =	shalt  }
0x59: {  	_ =	shalt  }
0x5a: {  	_ =	shalt  }
0x5b: {  	_ =	shalt  }
0x5c: {  	_ =	shalt  }
0x5d: {  	_ =	shalt  }
0x5e: {  	_ =	shalt  }
0x5f: {  	_ =	shalt  }
0x60: {  	_ =	shalt  }
0x61: {  	_ =	shalt  }
0x62: {  	_ =	shalt  }
0x63: {  	_ =	shalt  }
0x64: {  	_ =	shalt  }
0x65: {  	_ =	shalt  }
0x66: {  	_ =	shalt  }
0x67: {  	_ =	shalt  }
0x68: {  	_ =	shalt  }
0x69: {  	_ =	shalt  }
0x6a: {  	_ =	shalt  }
0x6b: {  	_ =	shalt  }
0x6c: {  	_ =	shalt  }
0x6d: {  	_ =	shalt  }
0x6e: {  	_ =	shalt  }
0x6f: {  	_ =	shalt  }
0x70: {  	_ =	shalt  }
0x71: {  	_ =	shalt  }
0x72: {  	_ =	shalt  }
0x73: {  	_ =	shalt  }
0x74: {  	_ =	shalt  }
0x75: {  	_ =	shalt  }
0x76: {  	_ =	shalt  }
0x77: {  	_ =	shalt  }
0x78: {  	_ =	shalt  }
0x79: {  	_ =	shalt  }
0x7a: {  	_ =	shalt  }
0x7b: {  	_ =	shalt  }
0x7c: {  	_ =	shalt  }
0x7d: {  	_ =	shalt  }
0x7e: {  	_ =	shalt  }
0x7f: {  	_ =	shalt  }
0x80: {  	_ =	shalt  }
0x81: {  	_ =	shalt  }
0x82: {  	_ =	shalt  }
0x83: {  	_ =	shalt  }
0x84: {  	_ =	shalt  }
0x85: {  	_ =	shalt  }
0x86: {  	_ =	shalt  }
0x87: {  	_ =	shalt  }
.Lfunc_end0:
.L_simem_size_0:
called_computation.5_lowered:
.L_overlay_start_0:
0x88: {  	s2 =	sld [smem:$0x3FD9]  }
0x89: {  	s3 =	sld [smem:$0x3FFE];
	_ =	sdelay $0x1  }
0x8a: {  	s1 =	srdreg.scid  }
0x8b: {  	s0 =	sand.u32 $0x1, s1  }
0x8c: {  	s17 =	sshll.u32 s0, $0xA;
	s2 =	sadd.s32 s3, s2  }
0x8d: {  	s2 =	sadd.s32 s2, s17  }
0x8e: {  	[smem:$0x3FBA] =	sst s2  }
0x8f: {  	_ = 	snop  }
0x90: {  	s18 =	sld [smem:$0x3FD0];
	(tm) =	ssettm $0x1  }
0x91: {  	s19 =	sld [smem:$0x3FFB];
	_ =	sdelay $0x3  }
0x92: {  	_ =	strace s19  }
0x93: {  	s2 =	sld [smem:$0x3FFC];
	_ =	sdelay $0x3  }
0x94: {  	_ =	strace s2  }
0x95: {  	s2 =	sld [smem:$0x3FFD];
	_ =	sdelay $0x3  }
0x96: {  	_ =	strace s2  }
0x97: {  	_ =	strace $0x8FFFFFFF  }
0x98: {  	s20 =	sld [smem:$0x3FDB];
	_ =	sdelay $0x1  }
0x99: {  	s4 =	simm.s32 $_scs_section_size  }
0x9a: {  	s5 =	simm.s32 $_size__tile_overlayer_lowered;
	s6 =	simm.s32 $_tile_overlayer_lowered  }
0x9b: {  	s7 =	simm.s32 $0x1BFF;
	s21 =	sshll.u32 s6, $0x1;
	s4 =	sadd.s32 s4, s20  }
0x9c: {  	s22 =	simm.s32 $0x0;
	s5 =	sshll.u32 s5, $0x1;
	s6 =	sadd.s32 s21, s4  }
0x9d: {  	[timem:s22], [sflag:s7] =	dma.local [hbm:s6], s5  }
0x9e: {  	_ =	swait.ge [sflag:s7], s5  }
0x9f: {  	s5 =	ssub.s32 $0x0, s5;
	[sflag:s7] =	ssyncset.done $0x0  }
0xa0: {  	[sflag:s7] =	ssyncadd.s32 s5;
	_ =	sdelay $0x1  }
0xa1: {  	s23 =	simm.s32 $0x1B8B  }
0xa2: {  	_ =	swait.ge [sflag:s23], $0x1  }
0xa3: {  	[sflag:s23] =	ssyncset.done $0x0  }
0xa4: {  	[sflag:s23] =	ssyncadd.s32 $0xFFFFFFFF  }
0xa5: {  	s5 =	sld [smem:$0x0]  }
0xa6: {  	s6 =	sand.u32 $0xFFFFFFFE, s1  }
0xa7: {  	p0 =	sne.s32 s1, s6  }
0xa8: {  	s6 =	sshll.u32 @p0 s6, $0xE  }
0xa9: {  	s6 =	sadd.s32 @p0 $0x11B8D, s6;
	s7 =	sshll.u32 @p0 s5, $0x11  }
0xaa: {  	s6 =	sor.u32 @p0 s7, s6  }
0xab: {  	[sflag:s6] =	ssyncadd.remote.s32 @p0 $0x1;
	_ =	sdelay $0x1  }
0xac: {  	s6 =	simm.s32 @p0 $0x1B8D  }
0xad: {  	_ =	swait.eq @p0 [sflag:s6], $0x1  }
0xae: {  	[sflag:s6] =	ssyncadd.s32 @p0 $0xFFFFFFFF  }
0xaf: {  	s7 =	sshll.u32 @!p0 s1, $0xE  }
0xb0: {  	s7 =	sor.u32 @!p0 $0x4000, s7;
	s6 =	simm.s32 @!p0 $0x1B8D  }
0xb1: {  	s5 =	sshll.u32 @!p0 s5, $0x11;
	s7 =	sadd.s32 @!p0 $0x11B8D, s7;
	_ =	swait.eq @!p0 [sflag:s6], $0x1  }
0xb2: {  	s5 =	sor.u32 @!p0 s5, s7;
	[sflag:s6] =	ssyncadd.s32 @!p0 $0xFFFFFFFF  }
0xb3: {  	s25 =	simm.s32 $0x1B8E;
	s24 =	sld [smem:$0x3FFE];
	[sflag:s5] =	ssyncadd.remote.s32 @!p0 $0x1  }
0xb4: {  	s26 =	simm.s32 $execute0_lowered;
	[smem:$0x3FD2] =	sst s25  }
0xb5: {  	s6 =	sshll.u32 s26, $0x1;
	_ =	strace $0x80000049;
	[dreg:$0x1] =	wrdreg $0xFFFFFFFF  }
0xb6: {  	s28 =	simm.s32 $_size_execute0_lowered;
	s4 =	sadd.s32 s4, s6;
	[dreg:$0x0] =	wrdreg $0x0  }
0xb7: {  	s6 =	sshll.u32 s28, $0x1;
	[dreg:$0x2] =	wrdreg s4  }
0xb8: {  	[dreg:$0x3] =	wrdreg s6  }
0xb9: {  	[dreg:$0x4] =	wrdreg $0xC0  }
0xba: {  	_ =	task [dreg:s22], $0x5FFFF  }
0xbb: {  	[dreg:$0x1] =	wrdreg $0xFFFFFFFF  }
0xbc: {  	[dreg:$0x0] =	wrdreg $0x60  }
0xbd: {  	[dreg:$0x2] =	wrdreg s24  }
0xbe: {  	[dreg:$0x3] =	wrdreg s18  }
0xbf: {  	[dreg:$0x4] =	wrdreg $0xA  }
0xc0: {  	_ =	task.clear_ibuf [dreg:s22], $0x5FFFF;
	_ =	strace $0x90000049  }
0xc1: {  	s29 =	simm.s32 $0xA;
	_ =	strace $0x8000004B  }
0xc2: {  	_ =	swait.ge [sflag:s29], $0x1  }
0xc3: {  	[sflag:s29] =	ssyncadd.s32 $0xFFFFFFFF  }
0xc4: {  	_ =	strace $0x9000004B  }
0xc5: {  	_ =	sfence  }
0xc6: {  	s30 =	sld [smem:$0x0];
	_ =	sdelay $0x2  }
0xc7: {  	s31 =	sshll.u32 s1, $0xD;
	s1 =	sshrl.u32 s1, $0x2  }
0xc8: {  	s4 =	sand.u32 $0x4000, s31;
	s1 =	sadd.s32 s1, s30  }
0xc9: {  	s0 =	sor.u32 s4, s0;
	s1 =	sshll.u32 s1, $0x11  }
0xca: {  	s0 =	sor.u32 s1, s0  }
0xcb: {  	s0 =	sadd.s32 $0x8F2B, s0  }
0xcc: {  	[sflag:s0] =	ssyncadd.remote.s32 $0x1  }
0xcd: {  	_ =	sfence.sel $0xFFFF  }
0xce: {  	[dreg:$0x0] =	wrdreg $0xFFFFFFFF;
	(pc) =	sbr.abs _section_cstart, $3  }
0xcf: {  	[dreg:$0x1] =	wrdreg $0xFFFFFFFF  }
0xd0: {  	_ =	task.clear_ibuf [dreg:s22], $0x2FFFF;
	_ =	strace $0x9FFFFFFF  }
0xd1: {  	(tm) =	ssettm $0x7FFFFFFF  }
tec
execute0_lowered:
.L_overlay_start_1:
0x0: {  	(tag) =	ssettag $0x1  }
0x1: {  	s8 =	rddreg [dreg:$0x0]  }
0x2: {  	s2 =	rddreg [dreg:$0x1]  }
0x3: {  	s0 =	rddreg [dreg:$0x2];
	s1 =	stileid.u32  }
0x4: {  	s3 =	srdreg.scid;
	_ =	strace $0x8000004A;
	s4 =	simm.s32 $0x1  }
0x5: {  	s7 =	simm.s32 $0x1;
	s9 =	simm.s32 $0x1;
	s10 =	simm.s32 $0x3  }
0x6: {  	s13 =	simm.s32 $0x0;
	s5 =	sand.u32 $0x1, s3;
	s6 =	sshll.u32 s1, $0x1  }
0x7: {  	s12 =	simm.s32 $0x0;
	s3 =	sadd.s32 $0xA000, s8;
	s5 =	sor.u32 s6, s5  }
.Ltmp0:
0x8: {  	[sflag:s4] =	ssyncpa.u1 $0x0;
	p0 =	slt.u32 s5, $0x13;
	(pc) =	sbr.rel .LBB2_1-.Ltmp0, $4  }
0x9: {  	s6 =	simm.s32 $0x2;
	s7 =	simm.s32 @!p0 $0x0;
	p0 =	sne.s32 s5, $0x12  }
0xa: {  	[sflag:s6] =	ssyncpa.u1 $0x0;
	s5 =	smul.u32 $0x1770, s5;
	s9 =	simm.s32 @!p0 $0x0  }
0xb: {  	s8 =	sadd.s32 $0x26600, s8;
	[sflag:s10] =	ssyncpa.u1 $0x0;
	s7 =	sadd.s32 s9, s7  }
0xc: {  	vm0 =	vmmov $0xffff;
	s10 =	simm.s32 $0x0;
	s11 =	smov.u32 s5;
	s9 =	sadd.s32 $0x1, s7  }
.LBB2_4:
0xd: {  	v2 =	vnsel vm1, $0x0, v2  }
0xe: {  	vm1 =	vgt.s32 v0, $0x0;
	v2 =	vmin.u32 v2, $0x4E1FF  }
0xf: {  	v0 =	vnsel vm1, $0x0, v0  }
0x10: {  	v0 =	vmin.u32 v0, $0x4E1FF  }
0x11: {  	[tilespmem:s18], [sflag:$0x1] =	stream.indirect_vreg.gather [hbm4b:s3+s10], $0x1, v1, vm0, $0x4038;
	[tilespmem:$0x5DC0] =	vst v63  }
0x12: {  	(ifvalue) =	ssetifvalue $0x7FFFFFFF  }
0x13: {  	[tilespmem:s15], [sflag:$0x1] =	stream.indirect_vreg.gather [hbm4b:s3+s10], $0x1, v2, vm0, $0x4038;
	[tilespmem:$0x5DC0] =	vst v63  }
0x14: {  	s29 =	sadd.s32 $0x10, s15;
	(ifvalue) =	ssetifvalue $0x7FFFFFFF  }
0x15: {  	[tilespmem:s29], [sflag:$0x1] =	stream.indirect_vreg.gather [hbm4b:s3+s10], $0x1, v0, vm0, $0x4038;
	[tilespmem:$0x5DC0] =	vst v63  }
0x16: {  	_ =	swait.ge [sflag:s4], $0x1770  }
0x17: {  	s30 =	sshrl.u32 s13, $0x3;
	[sflag:s4] =	ssyncset.done $0x0  }
0x18: {  	s31 =	sand.u32 $0x7, s13;
	s15 =	sadd.s32 s2, s30;
	[sflag:s4] =	ssyncadd.s32 $0xFFFFE890  }
0x19: {  	[hbm4b:s15+s31] =	stream.linear.scatter [tilespmem:s14], [sflag:$0x3], $0x1770, $0x38;
	[tilespmem:$0x5DC0] =	vst v63  }
.LBB2_5:
0x1a: {  	s15 =	sadd.s32 $0x2EE00, s11  }
0x1b: {  	p1 =	sgt.s32 s15, $0x493DF  }
0x1c: {  	s15 =	smov.u32 @p1 s5;
	p1 =	sne.s32 s12, s9  }
.Ltmp1:
0x1d: {  	p0 =	slt.u32 s12, $0x2;
	(pc) =	sbr.rel @!p1 .LBB2_6-.Ltmp1, $4  }
0x1e: {  	s14 =	simm.s32 @!p0 $0x3  }
0x1f: {  	_ =	swait.ge @!p0 [sflag:s14], $0x1770  }
0x20: {  	s16 =	sadd.s32 $0x1, s12;
	s13 =	smov.u32 s11;
	[sflag:s14] =	ssyncset.done @!p0 $0x0  }
0x21: {  	s12 =	smov.u32 s16;
	s11 =	smov.u32 s15;
	[sflag:s14] =	ssyncadd.s32 @!p0 $0xFFFFE890  }
.LBB2_1:
0x22: {  	p0 =	sge.u32 s12, s7  }
0x23: {  	s14 =	sxor.u32 @!p0 $0x1, s12  }
0x24: {  	s14 =	smul.u32 @!p0 $0x5DC0, s14  }
0x25: {  	s31 =	sadd.s32 $0xFFFFFFFF, s12;
	s15 =	sshrl.u32 @!p0 s11, $0x3  }
0x26: {  	s16 =	sand.u32 @!p0 $0x7, s11;
	s15 =	sadd.s32 @!p0 s8, s15;
	s14 =	sshra.s32 @!p0 s14, $0x2  }
0x27: {  	[tilespmem:s14], [sflag:$0x2] =	stream.linear.gather @!p0 [hbm4b:s15+s16], $0x1770, $0x38;
	[tilespmem:$0x5DC0] =	vst v63  }
0x28: {  	p0 =	sge.u32 s31, s7  }
.Ltmp2:
0x29: {  	_ = 	snop;
	(pc) =	sbr.rel @p0 .LBB2_5-.Ltmp2, $1  }
0x2a: {  	_ =	sdelay $0x3  }
0x2b: {  	s14 =	sand.u32 $0x1, s12  }
0x2c: {  	_ =	swait.ge [sflag:s6], $0x1770;
	p0 =	seq.s32 s14, $0x1;
	s14 =	simm.s32 $0x1770  }
0x2d: {  	[sflag:s6] =	ssyncset.done $0x0;
	s14 =	simm.s32 @!p0 $0x0  }
0x2e: {  	[sflag:s6] =	ssyncadd.s32 $0xFFFFE890;
	(ifvalue) =	ssetifvalue $0x7FFFFFFF;
	v0 =	vld.msk [tilespmem:s14+$0x0 ss:$0x1], $0xffff;
	_ =	sdelay $0x4  }
0x2f: {  	s15 =	sadd.s32 $0x10, s14;
	vm1 =	vgt.s32 v0, $0x0  }
0x30: {  	v2 =	vld.msk [tilespmem:s15+$0x0 ss:$0x1], $0xffff;
	v1 =	vnsel vm1, $0x0, v0  }
0x31: {  	v1 =	vmin.u32 v1, $0x4E1FF;
	_ =	sdelay $0x2  }
0x32: {  	s17 =	simm.s32 $0x20;
	s14 =	sadd.s32 $0x2EE0, s14;
	s16 =	sadd.s32 $0x10, s15  }
0x33: {  	s15 =	sadd.s32 $0x10, s14;
	s18 =	smov.u32 s14;
	v0 =	vld.msk [tilespmem:s16+$0x0 ss:$0x1], $0xffff;
	vm1 =	vgt.s32 v2, $0x0;
	(ifvalue) =	ssetifvalue $0x7FFFFFFF  }
.LBB2_3:
0x34: {  	[tilespmem:s18], [sflag:$0x1] =	stream.indirect_vreg.gather [hbm4b:s3+s10], $0x1, v1, vm0, $0x4038;
	[tilespmem:$0x5DC0] =	vst v63  }
0x35: {  	s17 =	sadd.s32 $0x10, s17  }
0x36: {  	v2 =	vnsel vm1, $0x0, v2;
	p0 =	slt.u32 s17, $0x1760  }
.Ltmp3:
0x37: {  	s18 =	smov.u32 s15;
	v1 =	vmin.u32 v2, $0x4E1FF;
	(pc) =	sbr.rel @p0 .LBB2_3-.Ltmp3, $3  }
0x38: {  	_ =	sdelay $0x1  }
0x39: {  	s16 =	sadd.s32 $0x10, s16  }
0x3a: {  	vm1 =	vgt.s32 v0, $0x0;
	s15 =	sadd.s32 $0x10, s15;
	v2 =	vmov v0;
	(ifvalue) =	ssetifvalue $0x7FFFFFFF;
	v0 =	vld.msk [tilespmem:s16+$0x0 ss:$0x1], $0xffff  }
.Ltmp4:
0x3b: {  	_ = 	snop;
	(pc) =	sbr.rel .LBB2_4-.Ltmp4, $1  }
0x3c: {  	_ =	sdelay $0x3  }
.LBB2_6:
0x3d: {  	_ =	sfence.sel $0x180000  }
0x3e: {  	s2 =	simm.s32 $0x2;
	[bflag:$0x0] =	sbarrier.arrive $0xFFFF  }
0x3f: {  	s30 =	simm.s32 $0x3;
	[sflag:s2] =	ssyncpa.u1 $0x1  }
0x40: {  	s31 =	simm.s32 $0x1;
	[sflag:s30] =	ssyncpa.u1 $0x1  }
0x41: {  	[sflag:s31] =	ssyncpa.u1 $0x1  }
0x42: {  	p0 =	sne.s32 s1, $0x0;
	_ =	strace $0x9000004A  }
0x43: {  	s0 =	sadd.s32 @!p0 $0x100000, s0;
	[bflag:$0x2] =	sbarrier.arrive $0xFFFF  }
0x44: {  	[sflag:s0] =	ssyncadd.tile.s32 @!p0 $0x1;
	_ =	shalt  }
.Lfunc_end2:
_tile_overlayer_lowered:
.L_overlay_start_2:
0x45: {  	(tag) =	ssettag $0x2  }
0x46: {  	s0 =	rddreg [dreg:$0x0];
	s2 =	stileid.u32  }
0x47: {  	s1 =	rddreg [dreg:$0x1];
	p0 =	sne.s32 s2, $0x0  }
0x48: {  	s3 =	rddreg [dreg:$0x2];
	[bflag:$0x3] =	sbarrier.arrive $0xFFFF;
	s2 =	simm.s32 @!p0 $0x1C01  }
0x49: {  	[timem:s3], [sflag:s2] =	dma.local @!p0 [hbm:s0], s1  }
0x4a: {  	s0 =	simm.s32 @!p0 $0x1  }
0x4b: {  	_ =	swait.ge @!p0 [sflag:s0], s1  }
0x4c: {  	s1 =	ssub.s32 @!p0 $0x0, s1;
	[sflag:s0] =	ssyncset.done @!p0 $0x0  }
0x4d: {  	[sflag:s0] =	ssyncadd.s32 @!p0 s1  }
0x4e: {  	[bflag:$0x3] =	sbarrier.arrive $0xFFFF  }
0x4f: {  	_ =	shalt  }

// kernel: gather_offload_async_start
scs
__scs_entry_jumppad:
0x0: {  	(pc) =	sbr.rel $0x88, $3  }
0x1: {  	(tag) =	ssettag $0x0;
	lr =	simm.s32 $0x1  }
0x2: {  	[smem:$0x3F93] =	sst lr;
	_ =	strace $0xD0000000  }
0x3: {  	_ = 	snop  }
0x4: {  	_ = 	snop  }
0x5: {  	_ = 	snop  }
0x6: {  	_ = 	snop  }
0x7: {  	_ = 	snop  }
__scs_overlays_trampoline_lowered:
0x8: {  	[smem:$0x3FA2] =	sst s0  }
0x9: {  	[smem:$0x3FA3] =	sst s1  }
0xa: {  	[smem:$0x3FA4] =	sst s2  }
0xb: {  	[smem:$0x3FA5] =	sst s3  }
0xc: {  	[smem:$0x3FA6] =	sst s4  }
0xd: {  	[smem:$0x3FA7] =	sst s5  }
0xe: {  	[smem:$0x3FA8] =	sst s6  }
0xf: {  	[smem:$0x3FA9] =	sst s7  }
0x10: {  	[smem:$0x3FAA] =	sst s8  }
0x11: {  	[smem:$0x3FAB] =	sst s9;
	s0 =	simm.s32 @!p0 $0x0  }
0x12: {  	s1 =	sld [smem:$0x3F91];
	s0 =	simm.s32 @p0 $0x1  }
0x13: {  	[smem:$0x3FAC] =	sst s0;
	s0 =	simm.s32 @!p1 $0x0  }
0x14: {  	s2 =	sld [smem:$0x3F90];
	s0 =	simm.s32 @p1 $0x1  }
0x15: {  	[smem:$0x3FAD] =	sst s0;
	s0 =	simm.s32 @!p2 $0x0  }
0x16: {  	s3 =	sld [smem:$0x3FDB];
	s0 =	simm.s32 @p2 $0x1  }
0x17: {  	s4 =	simm.s32 $0x1BF5;
	[smem:$0x3FAF] =	sst s0  }
0x18: {  	s0 =	sld [smem:$0x3F92];
	_ =	swait.ge [sflag:s4], $0x0  }
0x19: {  	s7 =	sld [smem:$0x3F93]  }
0x1a: {  	s8 =	sadd.s32 $0xFFFFE003, lr  }
0x1b: {  	s9 =	sadd.s32 $0xFFFFFEF7, lr;
	s5 =	simm.s32 $0xFFFFFFFF;
	p2 =	slt.u32 s8, $0xFFFFF086  }
0x1c: {  	p1 =	slt.u32 s9, $0xF7A;
	s5 =	simm.s32 @!p2 $0x0  }
0x1d: {  	s5 =	simm.s32 @p1 $0x1;
	p0 =	seq.s32 s7, s2  }
0x1e: {  	s7 =	smul.u32 @!p0 $0xF7A, s2;
	p2 =	seq.s32 @!p0 s5, $0x0  }
0x1f: {  	s9 =	smul.u32 $0xF7A, s1;
	s8 =	simm.s32 @!p0 $0x1BF5;
	p2 =	por !p2, p0  }
0x20: {  	[sflag:s8] =	ssyncset.s32 @!p0 $0xFFFFF086;
	s6 =	sadd.s32 @!p0 s3, s7;
	s7 =	simm.s32 @!p0 $0x108  }
0x21: {  	s3 =	sadd.s32 s3, s9;
	s6 =	sadd.s32 @!p0 $0x88, s6;
	s7 =	simm.s32 @p2 $0x1082  }
0x22: {  	[simem:s7], [sflag:s8] =	dma.local @!p0 [hbm:s6], $0xF7A  }
0x23: {  	s9 =	sor.u32 $0xD0000000, s2;
	s6 =	simm.s32 $0x108;
	_ =	swait.ge @!p0 [sflag:s8], $0x0  }
0x24: {  	s3 =	sadd.s32 $0x88, s3;
	s6 =	simm.s32 @!p1 $0x1082;
	[sflag:s4] =	ssyncset.s32 $0xFFFFF086  }
0x25: {  	[simem:s6], [sflag:s4] =	dma.local [hbm:s3], $0xF7A  }
0x26: {  	[smem:$0x3F93] =	sst s1;
	(tag) =	ssettag s2;
	_ =	strace s9  }
0x27: {  	s1 =	sld [smem:$0x3FA3]  }
0x28: {  	s2 =	sld [smem:$0x3FA4]  }
0x29: {  	s4 =	sld [smem:$0x3FA6]  }
0x2a: {  	p0 =	seq.s32 s5, $0x0;
	s5 =	sld [smem:$0x3FA7]  }
0x2b: {  	s6 =	sld [smem:$0x3FA8]  }
0x2c: {  	s7 =	sld [smem:$0x3FA9]  }
0x2d: {  	s3 =	simm.s32 $0x108;
	s8 =	sld [smem:$0x3FAA]  }
0x2e: {  	s3 =	simm.s32 @!p0 $0x1082;
	s9 =	sld [smem:$0x3FAB]  }
0x2f: {  	lr =	sadd.s32 s0, s3;
	s0 =	sld [smem:$0x3FA2]  }
0x30: {  	s3 =	sld [smem:$0x3FA5]  }
0x31: {  	[smem:$0x3FAE] =	sst s10  }
0x32: {  	s10 =	sld [smem:$0x3FAC];
	_ =	sdelay $0x3  }
0x33: {  	p0 =	seq.s32 s10, $0x1;
	s10 =	sld [smem:$0x3FAE];
	_ =	sdelay $0x3  }
0x34: {  	[smem:$0x3FAE] =	sst s10  }
0x35: {  	s10 =	sld [smem:$0x3FAD];
	_ =	sdelay $0x3  }
0x36: {  	p1 =	seq.s32 s10, $0x1;
	s10 =	sld [smem:$0x3FAE];
	_ =	sdelay $0x3  }
0x37: {  	[smem:$0x3FAE] =	sst s10  }
0x38: {  	s10 =	sld [smem:$0x3FAF]  }
0x39: {  	_ = 	snop;
	(pc) =	sbr.ind lr, $3  }
0x3a: {  	_ = 	snop  }
0x3b: {  	_ = 	snop  }
0x3c: {  	p2 =	seq.s32 s10, $0x1;
	s10 =	sld [smem:$0x3FAE]  }
0x3d: {  	_ =	shalt  }
0x3e: {  	_ =	shalt  }
0x3f: {  	_ =	shalt  }
0x40: {  	_ =	shalt  }
0x41: {  	_ =	shalt  }
0x42: {  	_ =	shalt  }
0x43: {  	_ =	shalt  }
0x44: {  	_ =	shalt  }
0x45: {  	_ =	shalt  }
0x46: {  	_ =	shalt  }
0x47: {  	_ =	shalt  }
0x48: {  	_ =	shalt  }
0x49: {  	_ =	shalt  }
0x4a: {  	_ =	shalt  }
0x4b: {  	_ =	shalt  }
0x4c: {  	_ =	shalt  }
0x4d: {  	_ =	shalt  }
0x4e: {  	_ =	shalt  }
0x4f: {  	_ =	shalt  }
0x50: {  	_ =	shalt  }
0x51: {  	_ =	shalt  }
0x52: {  	_ =	shalt  }
0x53: {  	_ =	shalt  }
0x54: {  	_ =	shalt  }
0x55: {  	_ =	shalt  }
0x56: {  	_ =	shalt  }
0x57: {  	_ =	shalt  }
0x58: {  	_ =	shalt  }
0x59: {  	_ =	shalt  }
0x5a: {  	_ =	shalt  }
0x5b: {  	_ =	shalt  }
0x5c: {  	_ =	shalt  }
0x5d: {  	_ =	shalt  }
0x5e: {  	_ =	shalt  }
0x5f: {  	_ =	shalt  }
0x60: {  	_ =	shalt  }
0x61: {  	_ =	shalt  }
0x62: {  	_ =	shalt  }
0x63: {  	_ =	shalt  }
0x64: {  	_ =	shalt  }
0x65: {  	_ =	shalt  }
0x66: {  	_ =	shalt  }
0x67: {  	_ =	shalt  }
0x68: {  	_ =	shalt  }
0x69: {  	_ =	shalt  }
0x6a: {  	_ =	shalt  }
0x6b: {  	_ =	shalt  }
0x6c: {  	_ =	shalt  }
0x6d: {  	_ =	shalt  }
0x6e: {  	_ =	shalt  }
0x6f: {  	_ =	shalt  }
0x70: {  	_ =	shalt  }
0x71: {  	_ =	shalt  }
0x72: {  	_ =	shalt  }
0x73: {  	_ =	shalt  }
0x74: {  	_ =	shalt  }
0x75: {  	_ =	shalt  }
0x76: {  	_ =	shalt  }
0x77: {  	_ =	shalt  }
0x78: {  	_ =	shalt  }
0x79: {  	_ =	shalt  }
0x7a: {  	_ =	shalt  }
0x7b: {  	_ =	shalt  }
0x7c: {  	_ =	shalt  }
0x7d: {  	_ =	shalt  }
0x7e: {  	_ =	shalt  }
0x7f: {  	_ =	shalt  }
0x80: {  	_ =	shalt  }
0x81: {  	_ =	shalt  }
0x82: {  	_ =	shalt  }
0x83: {  	_ =	shalt  }
0x84: {  	_ =	shalt  }
0x85: {  	_ =	shalt  }
0x86: {  	_ =	shalt  }
0x87: {  	_ =	shalt  }
.Lfunc_end0:
.L_simem_size_0:
called_computation.3_lowered:
.L_overlay_start_0:
0x88: {  	s2 =	sld [smem:$0x3FD9]  }
0x89: {  	s3 =	sld [smem:$0x3FFE];
	_ =	sdelay $0x1  }
0x8a: {  	s1 =	srdreg.scid  }
0x8b: {  	s0 =	sand.u32 $0x1, s1  }
0x8c: {  	s16 =	sshll.u32 s0, $0xA;
	s2 =	sadd.s32 s3, s2  }
0x8d: {  	s2 =	sadd.s32 s2, s16  }
0x8e: {  	[smem:$0x3FBA] =	sst s2  }
0x8f: {  	_ = 	snop  }
0x90: {  	(tm) =	ssettm $0x1  }
0x91: {  	s17 =	sld [smem:$0x3FFB];
	_ =	sdelay $0x3  }
0x92: {  	_ =	strace s17  }
0x93: {  	s2 =	sld [smem:$0x3FFC];
	_ =	sdelay $0x3  }
0x94: {  	_ =	strace s2  }
0x95: {  	s2 =	sld [smem:$0x3FFD];
	_ =	sdelay $0x3  }
0x96: {  	_ =	strace s2  }
0x97: {  	_ =	strace $0x8FFFFFFF  }
0x98: {  	s18 =	sld [smem:$0x3FDB];
	_ =	sdelay $0x1  }
0x99: {  	s19 =	simm.s32 $_scs_section_size  }
0x9a: {  	s4 =	simm.s32 $_size__tile_overlayer_lowered;
	s5 =	simm.s32 $_tile_overlayer_lowered  }
0x9b: {  	s22 =	simm.s32 $0x1BFF;
	s21 =	sshll.u32 s5, $0x1;
	s2 =	sadd.s32 s19, s18  }
0x9c: {  	s6 =	simm.s32 $0x0;
	s20 =	sshll.u32 s4, $0x1;
	s4 =	sadd.s32 s21, s2  }
0x9d: {  	[timem:s6], [sflag:s22] =	dma.local [hbm:s4], s20  }
0x9e: {  	_ =	swait.ge [sflag:s22], s20  }
0x9f: {  	s3 =	ssub.s32 $0x0, s20;
	[sflag:s22] =	ssyncset.done $0x0  }
0xa0: {  	[sflag:s22] =	ssyncadd.s32 s3;
	_ =	sdelay $0x1  }
0xa1: {  	s23 =	simm.s32 $0x1B8B  }
0xa2: {  	_ =	swait.ge [sflag:s23], $0x1  }
0xa3: {  	[sflag:s23] =	ssyncset.done $0x0  }
0xa4: {  	s25 =	simm.s32 $0x1B8E;
	s24 =	sld [smem:$0x3FFE];
	[sflag:s23] =	ssyncadd.s32 $0xFFFFFFFF  }
0xa5: {  	s26 =	simm.s32 $execute0_lowered;
	[smem:$0x3FD2] =	sst s25  }
0xa6: {  	s4 =	sshll.u32 s26, $0x1;
	_ =	strace $0x80000055;
	[dreg:$0x1] =	wrdreg $0xFFFFFFFF  }
0xa7: {  	s28 =	simm.s32 $_size_execute0_lowered;
	s2 =	sadd.s32 s2, s4;
	[dreg:$0x0] =	wrdreg $0x0  }
0xa8: {  	s4 =	sshll.u32 s28, $0x1;
	[dreg:$0x2] =	wrdreg s2  }
0xa9: {  	[dreg:$0x3] =	wrdreg s4  }
0xaa: {  	[dreg:$0x4] =	wrdreg $0xC0  }
0xab: {  	_ =	task [dreg:s6], $0x5FFFF  }
0xac: {  	[dreg:$0x1] =	wrdreg $0xFFFFFFFF  }
0xad: {  	[dreg:$0x0] =	wrdreg $0x60  }
0xae: {  	[dreg:$0x2] =	wrdreg s24  }
0xaf: {  	[dreg:$0x3] =	wrdreg $0x9  }
0xb0: {  	_ =	task.clear_ibuf [dreg:s6], $0x4FFFF;
	_ =	strace $0x90000055  }
0xb1: {  	s29 =	simm.s32 $0x9;
	_ =	strace $0x80000057  }
0xb2: {  	_ =	swait.ge [sflag:s29], $0x1  }
0xb3: {  	[sflag:s29] =	ssyncadd.s32 $0xFFFFFFFF  }
0xb4: {  	_ =	strace $0x90000057  }
0xb5: {  	_ =	sfence  }
0xb6: {  	s30 =	sld [smem:$0x0];
	_ =	sdelay $0x2  }
0xb7: {  	s31 =	sshll.u32 s1, $0xD;
	s1 =	sshrl.u32 s1, $0x2  }
0xb8: {  	s3 =	sand.u32 $0x4000, s31;
	s1 =	sadd.s32 s1, s30  }
0xb9: {  	s0 =	sor.u32 s3, s0;
	s1 =	sshll.u32 s1, $0x11  }
0xba: {  	s0 =	sor.u32 s1, s0  }
0xbb: {  	s0 =	sadd.s32 $0x8F2B, s0  }
0xbc: {  	[sflag:s0] =	ssyncadd.remote.s32 $0x1  }
0xbd: {  	_ =	sfence.sel $0xFFFF  }
0xbe: {  	[dreg:$0x0] =	wrdreg $0xFFFFFFFF;
	(pc) =	sbr.abs _section_cstart, $3  }
0xbf: {  	[dreg:$0x1] =	wrdreg $0xFFFFFFFF  }
0xc0: {  	_ =	task.clear_ibuf [dreg:s6], $0x2FFFF;
	_ =	strace $0x9FFFFFFF  }
0xc1: {  	(tm) =	ssettm $0x7FFFFFFF  }
tec
execute0_lowered:
.L_overlay_start_1:
0x0: {  	(tag) =	ssettag $0x1  }
0x1: {  	s8 =	rddreg [dreg:$0x0]  }
0x2: {  	s0 =	rddreg [dreg:$0x1];
	_ =	strace $0x80000056;
	s1 =	stileid.u32  }
0x3: {  	s3 =	srdreg.scid;
	s4 =	simm.s32 $0x1;
	s7 =	simm.s32 $0x1  }
0x4: {  	s9 =	simm.s32 $0x1;
	s10 =	simm.s32 $0x3;
	s13 =	simm.s32 $0x0  }
0x5: {  	s12 =	simm.s32 $0x0;
	s5 =	sand.u32 $0x1, s3;
	s6 =	sshll.u32 s1, $0x1  }
0x6: {  	s2 =	sadd.s32 $0x200, s8;
	s3 =	sadd.s32 $0x26600, s8;
	s5 =	sor.u32 s6, s5  }
.Ltmp0:
0x7: {  	[sflag:s4] =	ssyncpa.u1 $0x0;
	p0 =	slt.u32 s5, $0x13;
	(pc) =	sbr.rel .LBB2_1-.Ltmp0, $4  }
0x8: {  	s6 =	simm.s32 $0x2;
	s7 =	simm.s32 @!p0 $0x0;
	p0 =	sne.s32 s5, $0x12  }
0x9: {  	[sflag:s6] =	ssyncpa.u1 $0x0;
	s5 =	smul.u32 $0x1770, s5;
	s9 =	simm.s32 @!p0 $0x0  }
0xa: {  	s8 =	sadd.s32 $0x2FA00, s8;
	[sflag:s10] =	ssyncpa.u1 $0x0;
	s7 =	sadd.s32 s9, s7  }
0xb: {  	vm0 =	vmmov $0xffff;
	s10 =	simm.s32 $0x0;
	s11 =	smov.u32 s5;
	s9 =	sadd.s32 $0x1, s7  }
.LBB2_4:
0xc: {  	v2 =	vnsel vm1, $0x0, v2  }
0xd: {  	vm1 =	vgt.s32 v0, $0x0;
	v2 =	vmin.u32 v2, $0x4E1FF  }
0xe: {  	v0 =	vnsel vm1, $0x0, v0  }
0xf: {  	v0 =	vmin.u32 v0, $0x4E1FF  }
0x10: {  	[tilespmem:s18], [sflag:$0x1] =	stream.indirect_vreg.gather [hbm4b:s2+s10], $0x1, v1, vm0, $0x4038;
	[tilespmem:$0x5DC0] =	vst v63  }
0x11: {  	(ifvalue) =	ssetifvalue $0x7FFFFFFF  }
0x12: {  	[tilespmem:s15], [sflag:$0x1] =	stream.indirect_vreg.gather [hbm4b:s2+s10], $0x1, v2, vm0, $0x4038;
	[tilespmem:$0x5DC0] =	vst v63  }
0x13: {  	s29 =	sadd.s32 $0x10, s15;
	(ifvalue) =	ssetifvalue $0x7FFFFFFF  }
0x14: {  	[tilespmem:s29], [sflag:$0x1] =	stream.indirect_vreg.gather [hbm4b:s2+s10], $0x1, v0, vm0, $0x4038;
	[tilespmem:$0x5DC0] =	vst v63  }
0x15: {  	_ =	swait.ge [sflag:s4], $0x1770  }
0x16: {  	s30 =	sshrl.u32 s13, $0x3;
	[sflag:s4] =	ssyncset.done $0x0  }
0x17: {  	s31 =	sand.u32 $0x7, s13;
	s15 =	sadd.s32 s8, s30;
	[sflag:s4] =	ssyncadd.s32 $0xFFFFE890  }
0x18: {  	[hbm4b:s15+s31] =	stream.linear.scatter [tilespmem:s14], [sflag:$0x3], $0x1770, $0x38;
	[tilespmem:$0x5DC0] =	vst v63  }
.LBB2_5:
0x19: {  	s15 =	sadd.s32 $0x2EE00, s11  }
0x1a: {  	p1 =	sgt.s32 s15, $0x493DF  }
0x1b: {  	s15 =	smov.u32 @p1 s5;
	p1 =	sne.s32 s12, s9  }
.Ltmp1:
0x1c: {  	p0 =	slt.u32 s12, $0x2;
	(pc) =	sbr.rel @!p1 .LBB2_6-.Ltmp1, $4  }
0x1d: {  	s14 =	simm.s32 @!p0 $0x3  }
0x1e: {  	_ =	swait.ge @!p0 [sflag:s14], $0x1770  }
0x1f: {  	s16 =	sadd.s32 $0x1, s12;
	s13 =	smov.u32 s11;
	[sflag:s14] =	ssyncset.done @!p0 $0x0  }
0x20: {  	s12 =	smov.u32 s16;
	s11 =	smov.u32 s15;
	[sflag:s14] =	ssyncadd.s32 @!p0 $0xFFFFE890  }
.LBB2_1:
0x21: {  	p0 =	sge.u32 s12, s7  }
0x22: {  	s14 =	sxor.u32 @!p0 $0x1, s12  }
0x23: {  	s14 =	smul.u32 @!p0 $0x5DC0, s14  }
0x24: {  	s31 =	sadd.s32 $0xFFFFFFFF, s12;
	s15 =	sshrl.u32 @!p0 s11, $0x3  }
0x25: {  	s16 =	sand.u32 @!p0 $0x7, s11;
	s15 =	sadd.s32 @!p0 s3, s15;
	s14 =	sshra.s32 @!p0 s14, $0x2  }
0x26: {  	[tilespmem:s14], [sflag:$0x2] =	stream.linear.gather @!p0 [hbm4b:s15+s16], $0x1770, $0x38;
	[tilespmem:$0x5DC0] =	vst v63  }
0x27: {  	p0 =	sge.u32 s31, s7  }
.Ltmp2:
0x28: {  	_ = 	snop;
	(pc) =	sbr.rel @p0 .LBB2_5-.Ltmp2, $1  }
0x29: {  	_ =	sdelay $0x3  }
0x2a: {  	s14 =	sand.u32 $0x1, s12  }
0x2b: {  	_ =	swait.ge [sflag:s6], $0x1770;
	p0 =	seq.s32 s14, $0x1;
	s14 =	simm.s32 $0x1770  }
0x2c: {  	[sflag:s6] =	ssyncset.done $0x0;
	s14 =	simm.s32 @!p0 $0x0  }
0x2d: {  	[sflag:s6] =	ssyncadd.s32 $0xFFFFE890;
	(ifvalue) =	ssetifvalue $0x7FFFFFFF;
	v0 =	vld.msk [tilespmem:s14+$0x0 ss:$0x1], $0xffff;
	_ =	sdelay $0x4  }
0x2e: {  	s15 =	sadd.s32 $0x10, s14;
	vm1 =	vgt.s32 v0, $0x0  }
0x2f: {  	v2 =	vld.msk [tilespmem:s15+$0x0 ss:$0x1], $0xffff;
	v1 =	vnsel vm1, $0x0, v0  }
0x30: {  	v1 =	vmin.u32 v1, $0x4E1FF;
	_ =	sdelay $0x2  }
0x31: {  	s17 =	simm.s32 $0x20;
	s14 =	sadd.s32 $0x2EE0, s14;
	s16 =	sadd.s32 $0x10, s15  }
0x32: {  	s15 =	sadd.s32 $0x10, s14;
	s18 =	smov.u32 s14;
	v0 =	vld.msk [tilespmem:s16+$0x0 ss:$0x1], $0xffff;
	vm1 =	vgt.s32 v2, $0x0;
	(ifvalue) =	ssetifvalue $0x7FFFFFFF  }
.LBB2_3:
0x33: {  	[tilespmem:s18], [sflag:$0x1] =	stream.indirect_vreg.gather [hbm4b:s2+s10], $0x1, v1, vm0, $0x4038;
	[tilespmem:$0x5DC0] =	vst v63  }
0x34: {  	s17 =	sadd.s32 $0x10, s17  }
0x35: {  	v2 =	vnsel vm1, $0x0, v2;
	p0 =	slt.u32 s17, $0x1760  }
.Ltmp3:
0x36: {  	s18 =	smov.u32 s15;
	v1 =	vmin.u32 v2, $0x4E1FF;
	(pc) =	sbr.rel @p0 .LBB2_3-.Ltmp3, $3  }
0x37: {  	_ =	sdelay $0x1  }
0x38: {  	s16 =	sadd.s32 $0x10, s16  }
0x39: {  	vm1 =	vgt.s32 v0, $0x0;
	s15 =	sadd.s32 $0x10, s15;
	v2 =	vmov v0;
	(ifvalue) =	ssetifvalue $0x7FFFFFFF;
	v0 =	vld.msk [tilespmem:s16+$0x0 ss:$0x1], $0xffff  }
.Ltmp4:
0x3a: {  	_ = 	snop;
	(pc) =	sbr.rel .LBB2_4-.Ltmp4, $1  }
0x3b: {  	_ =	sdelay $0x3  }
.LBB2_6:
0x3c: {  	_ =	sfence.sel $0x180000  }
0x3d: {  	s2 =	simm.s32 $0x2;
	[bflag:$0x0] =	sbarrier.arrive $0xFFFF  }
0x3e: {  	s30 =	simm.s32 $0x3;
	[sflag:s2] =	ssyncpa.u1 $0x1  }
0x3f: {  	s31 =	simm.s32 $0x1;
	[sflag:s30] =	ssyncpa.u1 $0x1  }
0x40: {  	[sflag:s31] =	ssyncpa.u1 $0x1  }
0x41: {  	p0 =	sne.s32 s1, $0x0;
	_ =	strace $0x90000056  }
0x42: {  	s0 =	sadd.s32 @!p0 $0x100000, s0;
	[bflag:$0x2] =	sbarrier.arrive $0xFFFF  }
0x43: {  	[sflag:s0] =	ssyncadd.tile.s32 @!p0 $0x1;
	_ =	shalt  }
.Lfunc_end2:
_tile_overlayer_lowered:
.L_overlay_start_2:
0x44: {  	(tag) =	ssettag $0x2  }
0x45: {  	s0 =	rddreg [dreg:$0x0];
	s2 =	stileid.u32  }
0x46: {  	s1 =	rddreg [dreg:$0x1];
	p0 =	sne.s32 s2, $0x0  }
0x47: {  	s3 =	rddreg [dreg:$0x2];
	[bflag:$0x3] =	sbarrier.arrive $0xFFFF;
	s2 =	simm.s32 @!p0 $0x1C01  }
0x48: {  	[timem:s3], [sflag:s2] =	dma.local @!p0 [hbm:s0], s1  }
0x49: {  	s0 =	simm.s32 @!p0 $0x1  }
0x4a: {  	_ =	swait.ge @!p0 [sflag:s0], s1  }
0x4b: {  	s1 =	ssub.s32 @!p0 $0x0, s1;
	[sflag:s0] =	ssyncset.done @!p0 $0x0  }
0x4c: {  	[sflag:s0] =	ssyncadd.s32 @!p0 s1  }
0x4d: {  	[bflag:$0x3] =	sbarrier.arrive $0xFFFF  }
0x4e: {  	_ =	shalt  }

// kernel: scatter_offload_async_start.1
scs
__scs_entry_jumppad:
0x0: {  	(pc) =	sbr.rel $0x88, $3  }
0x1: {  	(tag) =	ssettag $0x0;
	lr =	simm.s32 $0x1  }
0x2: {  	[smem:$0x3F93] =	sst lr;
	_ =	strace $0xD0000000  }
0x3: {  	_ = 	snop  }
0x4: {  	_ = 	snop  }
0x5: {  	_ = 	snop  }
0x6: {  	_ = 	snop  }
0x7: {  	_ = 	snop  }
__scs_overlays_trampoline_lowered:
0x8: {  	[smem:$0x3FA2] =	sst s0  }
0x9: {  	[smem:$0x3FA3] =	sst s1  }
0xa: {  	[smem:$0x3FA4] =	sst s2  }
0xb: {  	[smem:$0x3FA5] =	sst s3  }
0xc: {  	[smem:$0x3FA6] =	sst s4  }
0xd: {  	[smem:$0x3FA7] =	sst s5  }
0xe: {  	[smem:$0x3FA8] =	sst s6  }
0xf: {  	[smem:$0x3FA9] =	sst s7  }
0x10: {  	[smem:$0x3FAA] =	sst s8  }
0x11: {  	[smem:$0x3FAB] =	sst s9;
	s0 =	simm.s32 @!p0 $0x0  }
0x12: {  	s1 =	sld [smem:$0x3F91];
	s0 =	simm.s32 @p0 $0x1  }
0x13: {  	[smem:$0x3FAC] =	sst s0;
	s0 =	simm.s32 @!p1 $0x0  }
0x14: {  	s2 =	sld [smem:$0x3F90];
	s0 =	simm.s32 @p1 $0x1  }
0x15: {  	[smem:$0x3FAD] =	sst s0;
	s0 =	simm.s32 @!p2 $0x0  }
0x16: {  	s3 =	sld [smem:$0x3FDB];
	s0 =	simm.s32 @p2 $0x1  }
0x17: {  	s4 =	simm.s32 $0x1BF5;
	[smem:$0x3FAF] =	sst s0  }
0x18: {  	s0 =	sld [smem:$0x3F92];
	_ =	swait.ge [sflag:s4], $0x0  }
0x19: {  	s7 =	sld [smem:$0x3F93]  }
0x1a: {  	s8 =	sadd.s32 $0xFFFFE003, lr  }
0x1b: {  	s9 =	sadd.s32 $0xFFFFFEF7, lr;
	s5 =	simm.s32 $0xFFFFFFFF;
	p2 =	slt.u32 s8, $0xFFFFF086  }
0x1c: {  	p1 =	slt.u32 s9, $0xF7A;
	s5 =	simm.s32 @!p2 $0x0  }
0x1d: {  	s5 =	simm.s32 @p1 $0x1;
	p0 =	seq.s32 s7, s2  }
0x1e: {  	s7 =	smul.u32 @!p0 $0xF7A, s2;
	p2 =	seq.s32 @!p0 s5, $0x0  }
0x1f: {  	s9 =	smul.u32 $0xF7A, s1;
	s8 =	simm.s32 @!p0 $0x1BF5;
	p2 =	por !p2, p0  }
0x20: {  	[sflag:s8] =	ssyncset.s32 @!p0 $0xFFFFF086;
	s6 =	sadd.s32 @!p0 s3, s7;
	s7 =	simm.s32 @!p0 $0x108  }
0x21: {  	s3 =	sadd.s32 s3, s9;
	s6 =	sadd.s32 @!p0 $0x88, s6;
	s7 =	simm.s32 @p2 $0x1082  }
0x22: {  	[simem:s7], [sflag:s8] =	dma.local @!p0 [hbm:s6], $0xF7A  }
0x23: {  	s9 =	sor.u32 $0xD0000000, s2;
	s6 =	simm.s32 $0x108;
	_ =	swait.ge @!p0 [sflag:s8], $0x0  }
0x24: {  	s3 =	sadd.s32 $0x88, s3;
	s6 =	simm.s32 @!p1 $0x1082;
	[sflag:s4] =	ssyncset.s32 $0xFFFFF086  }
0x25: {  	[simem:s6], [sflag:s4] =	dma.local [hbm:s3], $0xF7A  }
0x26: {  	[smem:$0x3F93] =	sst s1;
	(tag) =	ssettag s2;
	_ =	strace s9  }
0x27: {  	s1 =	sld [smem:$0x3FA3]  }
0x28: {  	s2 =	sld [smem:$0x3FA4]  }
0x29: {  	s4 =	sld [smem:$0x3FA6]  }
0x2a: {  	p0 =	seq.s32 s5, $0x0;
	s5 =	sld [smem:$0x3FA7]  }
0x2b: {  	s6 =	sld [smem:$0x3FA8]  }
0x2c: {  	s7 =	sld [smem:$0x3FA9]  }
0x2d: {  	s3 =	simm.s32 $0x108;
	s8 =	sld [smem:$0x3FAA]  }
0x2e: {  	s3 =	simm.s32 @!p0 $0x1082;
	s9 =	sld [smem:$0x3FAB]  }
0x2f: {  	lr =	sadd.s32 s0, s3;
	s0 =	sld [smem:$0x3FA2]  }
0x30: {  	s3 =	sld [smem:$0x3FA5]  }
0x31: {  	[smem:$0x3FAE] =	sst s10  }
0x32: {  	s10 =	sld [smem:$0x3FAC];
	_ =	sdelay $0x3  }
0x33: {  	p0 =	seq.s32 s10, $0x1;
	s10 =	sld [smem:$0x3FAE];
	_ =	sdelay $0x3  }
0x34: {  	[smem:$0x3FAE] =	sst s10  }
0x35: {  	s10 =	sld [smem:$0x3FAD];
	_ =	sdelay $0x3  }
0x36: {  	p1 =	seq.s32 s10, $0x1;
	s10 =	sld [smem:$0x3FAE];
	_ =	sdelay $0x3  }
0x37: {  	[smem:$0x3FAE] =	sst s10  }
0x38: {  	s10 =	sld [smem:$0x3FAF]  }
0x39: {  	_ = 	snop;
	(pc) =	sbr.ind lr, $3  }
0x3a: {  	_ = 	snop  }
0x3b: {  	_ = 	snop  }
0x3c: {  	p2 =	seq.s32 s10, $0x1;
	s10 =	sld [smem:$0x3FAE]  }
0x3d: {  	_ =	shalt  }
0x3e: {  	_ =	shalt  }
0x3f: {  	_ =	shalt  }
0x40: {  	_ =	shalt  }
0x41: {  	_ =	shalt  }
0x42: {  	_ =	shalt  }
0x43: {  	_ =	shalt  }
0x44: {  	_ =	shalt  }
0x45: {  	_ =	shalt  }
0x46: {  	_ =	shalt  }
0x47: {  	_ =	shalt  }
0x48: {  	_ =	shalt  }
0x49: {  	_ =	shalt  }
0x4a: {  	_ =	shalt  }
0x4b: {  	_ =	shalt  }
0x4c: {  	_ =	shalt  }
0x4d: {  	_ =	shalt  }
0x4e: {  	_ =	shalt  }
0x4f: {  	_ =	shalt  }
0x50: {  	_ =	shalt  }
0x51: {  	_ =	shalt  }
0x52: {  	_ =	shalt  }
0x53: {  	_ =	shalt  }
0x54: {  	_ =	shalt  }
0x55: {  	_ =	shalt  }
0x56: {  	_ =	shalt  }
0x57: {  	_ =	shalt  }
0x58: {  	_ =	shalt  }
0x59: {  	_ =	shalt  }
0x5a: {  	_ =	shalt  }
0x5b: {  	_ =	shalt  }
0x5c: {  	_ =	shalt  }
0x5d: {  	_ =	shalt  }
0x5e: {  	_ =	shalt  }
0x5f: {  	_ =	shalt  }
0x60: {  	_ =	shalt  }
0x61: {  	_ =	shalt  }
0x62: {  	_ =	shalt  }
0x63: {  	_ =	shalt  }
0x64: {  	_ =	shalt  }
0x65: {  	_ =	shalt  }
0x66: {  	_ =	shalt  }
0x67: {  	_ =	shalt  }
0x68: {  	_ =	shalt  }
0x69: {  	_ =	shalt  }
0x6a: {  	_ =	shalt  }
0x6b: {  	_ =	shalt  }
0x6c: {  	_ =	shalt  }
0x6d: {  	_ =	shalt  }
0x6e: {  	_ =	shalt  }
0x6f: {  	_ =	shalt  }
0x70: {  	_ =	shalt  }
0x71: {  	_ =	shalt  }
0x72: {  	_ =	shalt  }
0x73: {  	_ =	shalt  }
0x74: {  	_ =	shalt  }
0x75: {  	_ =	shalt  }
0x76: {  	_ =	shalt  }
0x77: {  	_ =	shalt  }
0x78: {  	_ =	shalt  }
0x79: {  	_ =	shalt  }
0x7a: {  	_ =	shalt  }
0x7b: {  	_ =	shalt  }
0x7c: {  	_ =	shalt  }
0x7d: {  	_ =	shalt  }
0x7e: {  	_ =	shalt  }
0x7f: {  	_ =	shalt  }
0x80: {  	_ =	shalt  }
0x81: {  	_ =	shalt  }
0x82: {  	_ =	shalt  }
0x83: {  	_ =	shalt  }
0x84: {  	_ =	shalt  }
0x85: {  	_ =	shalt  }
0x86: {  	_ =	shalt  }
0x87: {  	_ =	shalt  }
.Lfunc_end0:
.L_simem_size_0:
called_computation.1_lowered:
.L_overlay_start_0:
0x88: {  	s0 =	sld [smem:$0x3FD9]  }
0x89: {  	s1 =	sld [smem:$0x3FFE];
	_ =	sdelay $0x3  }
0x8a: {  	s0 =	sadd.s32 s1, s0  }
0x8b: {  	[smem:$0x3FBA] =	sst s0  }
0x8c: {  	_ = 	snop  }
0x8d: {  	(tm) =	ssettm $0x1  }
0x8e: {  	s15 =	sld [smem:$0x3FFB];
	_ =	sdelay $0x3  }
0x8f: {  	_ =	strace s15  }
0x90: {  	s0 =	sld [smem:$0x3FFC];
	_ =	sdelay $0x3  }
0x91: {  	_ =	strace s0  }
0x92: {  	s0 =	sld [smem:$0x3FFD];
	_ =	sdelay $0x3  }
0x93: {  	_ =	strace s0  }
0x94: {  	_ =	strace $0x8FFFFFFF  }
0x95: {  	s16 =	sld [smem:$0x3FDB];
	_ =	sdelay $0x1  }
0x96: {  	s17 =	simm.s32 $_scs_section_size  }
0x97: {  	s2 =	simm.s32 $_size__tile_overlayer_lowered;
	s3 =	simm.s32 $_tile_overlayer_lowered  }
0x98: {  	s20 =	simm.s32 $0x1BFF;
	s19 =	sshll.u32 s3, $0x1;
	s0 =	sadd.s32 s17, s16  }
0x99: {  	s4 =	simm.s32 $0x0;
	s18 =	sshll.u32 s2, $0x1;
	s2 =	sadd.s32 s19, s0  }
0x9a: {  	[timem:s4], [sflag:s20] =	dma.local [hbm:s2], s18  }
0x9b: {  	_ =	swait.ge [sflag:s20], s18  }
0x9c: {  	s1 =	ssub.s32 $0x0, s18;
	[sflag:s20] =	ssyncset.done $0x0  }
0x9d: {  	[sflag:s20] =	ssyncadd.s32 s1;
	_ =	sdelay $0x1  }
0x9e: {  	s21 =	simm.s32 $0x1B8B  }
0x9f: {  	_ =	swait.ge [sflag:s21], $0x1  }
0xa0: {  	[sflag:s21] =	ssyncset.done $0x0  }
0xa1: {  	s23 =	simm.s32 $0x1B8E;
	s22 =	sld [smem:$0x3FFE];
	[sflag:s21] =	ssyncadd.s32 $0xFFFFFFFF  }
0xa2: {  	s24 =	simm.s32 $execute0_lowered;
	[smem:$0x3FD2] =	sst s23  }
0xa3: {  	s2 =	sshll.u32 s24, $0x1;
	_ =	strace $0x8000004C;
	[dreg:$0x1] =	wrdreg $0xFFFFFFFF  }
0xa4: {  	s25 =	simm.s32 $_size_execute0_lowered;
	s0 =	sadd.s32 s0, s2;
	[dreg:$0x0] =	wrdreg $0x0  }
0xa5: {  	s2 =	sshll.u32 s25, $0x1;
	[dreg:$0x2] =	wrdreg s0  }
0xa6: {  	[dreg:$0x3] =	wrdreg s2  }
0xa7: {  	[dreg:$0x4] =	wrdreg $0xC0  }
0xa8: {  	_ =	task [dreg:s4], $0x5FFFF  }
0xa9: {  	[dreg:$0x1] =	wrdreg $0xFFFFFFFF  }
0xaa: {  	[dreg:$0x0] =	wrdreg $0x60  }
0xab: {  	[dreg:$0x2] =	wrdreg s22  }
0xac: {  	[dreg:$0x3] =	wrdreg $0xA  }
0xad: {  	_ =	task.clear_ibuf [dreg:s4], $0x4FFFF;
	_ =	strace $0x9000004C  }
0xae: {  	s26 =	simm.s32 $0xA;
	_ =	strace $0x8000004E  }
0xaf: {  	_ =	swait.ge [sflag:s26], $0x1  }
0xb0: {  	[sflag:s26] =	ssyncadd.s32 $0xFFFFFFFF  }
0xb1: {  	_ =	strace $0x9000004E  }
0xb2: {  	_ =	sfence  }
0xb3: {  	s28 =	sld [smem:$0x0];
	_ =	sdelay $0x1  }
0xb4: {  	s29 =	srdreg.scid  }
0xb5: {  	s30 =	sshll.u32 s29, $0xD;
	s31 =	sshrl.u32 s29, $0x2  }
0xb6: {  	s1 =	sand.u32 $0x1, s29;
	s2 =	sand.u32 $0x4000, s30;
	s0 =	sadd.s32 s31, s28  }
0xb7: {  	s1 =	sor.u32 s2, s1;
	s0 =	sshll.u32 s0, $0x11  }
0xb8: {  	s0 =	sor.u32 s0, s1  }
0xb9: {  	s0 =	sadd.s32 $0x8F2B, s0  }
0xba: {  	[sflag:s0] =	ssyncadd.remote.s32 $0x1  }
0xbb: {  	_ =	sfence.sel $0xFFFF  }
0xbc: {  	[dreg:$0x0] =	wrdreg $0xFFFFFFFF;
	(pc) =	sbr.abs _section_cstart, $3  }
0xbd: {  	[dreg:$0x1] =	wrdreg $0xFFFFFFFF  }
0xbe: {  	_ =	task.clear_ibuf [dreg:s4], $0x2FFFF;
	_ =	strace $0x9FFFFFFF  }
0xbf: {  	(tm) =	ssettm $0x7FFFFFFF  }
tec
execute0_lowered:
.L_overlay_start_1:
0x0: {  	(tag) =	ssettag $0x1  }
0x1: {  	s0 =	rddreg [dreg:$0x0]  }
0x2: {  	s6 =	stileid.u32;
	_ =	strace $0x8000004D;
	s2 =	simm.s32 $0x1  }
0x3: {  	v1 =	vimm.s32 $0xFFFFFFFF;
	s1 =	smul.u32 $0x3, s6;
	[sflag:s2] =	ssyncpa.u1 $0x0  }
0x4: {  	s3 =	smin.u32 s6, $0x2;
	[tilespmem:$0x10] =	vst v1  }
0x5: {  	v0 =	vimm.f32 $0.0e+00;
	[tilespmem:$0x20] =	vst v1;
	s1 =	sadd.s32 s3, s1  }
0x6: {  	p0 =	slt.u32 s6, $0x2;
	[tilespmem:$0x30] =	vst v0;
	s3 =	smul.u32 $0x1770, s1;
	s1 =	simm.s32 $0x5DC0  }
0x7: {  	[tilespmem:$0x40] =	vst v0;
	s1 =	simm.s32 @!p0 $0x4650  }
0x8: {  	[tilespmem:$0x50] =	vst v0;
	s1 =	sadd.s32 s1, s3  }
0x9: {  	[tilespmem:$0x60] =	vst v1;
	s4 =	smin.u32 s1, $0x493E0  }
0xa: {  	s7 =	simm.s32 $0x2;
	[tilespmem:$0x70] =	vst v1;
	s9 =	ssub.s32 s4, s3  }
0xb: {  	s8 =	simm.s32 $0x8;
	s31 =	simm.s32 $0x9;
	[tilespmem:$0x80] =	vst v1;
	p0 =	sgt.s32 s9, $0x0  }
0xc: {  	s16 =	simm.s32 $0x0;
	s17 =	simm.s32 $0xF0;
	v1 =	vimm.s32 $0x0;
	[tilespmem:$0xB0] =	vst v0;
	s9 =	simm.s32 @!p0 $0x0  }
0xd: {  	s18 =	simm.s32 $0xFFFFFFFF;
	s19 =	simm.s32 $0xFFFFD220;
	[tilespmem:$0x90] =	vst v1;
	s5 =	smulhi.u32 $0x57619F1, s9  }
0xe: {  	s20 =	simm.s32 $0xFFFFFFFE;
	[tilespmem:$0xA0] =	vst v1;
	[sflag:s7] =	ssyncpa.u1 $0x0;
	s7 =	simm.s32 $0x7  }
0xf: {  	s21 =	simm.s32 $0xF;
	[sflag:s7] =	ssyncpa.u1 $0x0;
	s10 =	sshrl.u32 s5, $0x7  }
0x10: {  	s25 =	simm.s32 $0x0;
	[sflag:s8] =	ssyncpa.u1 $0x0;
	s11 =	smul.u32 $0x1770, s10  }
0x11: {  	s24 =	simm.s32 $0x0;
	s14 =	sshllo.u32 s6, $0x1;
	[sflag:s31] =	ssyncpa.u1 $0x0  }
.Ltmp0:
0x12: {  	s1 =	sadd.s32 $0x25000, s0;
	p0 =	sne.s32 s9, s11;
	(pc) =	sbr.rel .LBB2_1-.Ltmp0, $4  }
0x13: {  	s5 =	sadd.s32 $0x12800, s0;
	s0 =	sadd.s32 $0x1BC00, s0;
	s2 =	simm.s32 @!p0 $0x0  }
0x14: {  	s23 =	smov.u32 s3;
	[dreg:$0x2] =	wrdreg s0;
	s9 =	sadd.s32 s2, s10  }
0x15: {  	vm0 =	vmmov $0xffff;
	v2 =	vlaneseq.u32;
	p0 =	por $0x0, $0x0;
	s10 =	sshll.u32 s6, $0x1;
	s11 =	sadd.s32 $0x1, s9  }
0x16: {  	vm1 =	vmxor vm1, vm1;
	vm2 =	vmmov $0x1;
	vm3 =	vcmask $0x3F3C;
	s12 =	sadd.s32 $0x2, s9;
	s13 =	sor.u32 $0x81, s10;
	s15 =	sor.u32 $0x80, s10  }
.LBB2_9:
0x17: {  	p1 =	slt.u32 s24, $0x3  }
0x18: {  	s0 =	simm.s32 @!p1 $0x2  }
0x19: {  	_ =	swait.ge @!p1 [sflag:s0], $0x1770  }
0x1a: {  	[sflag:s0] =	ssyncset.done @!p1 $0x0  }
0x1b: {  	[sflag:s0] =	ssyncadd.s32 @!p1 $0xFFFFE890;
	s0 =	simm.s32 @!p1 $0x9  }
0x1c: {  	_ =	swait.ge @!p1 [sflag:s0], $0x10  }
0x1d: {  	[sflag:s0] =	ssyncset.done @!p1 $0x0  }
0x1e: {  	[sflag:s0] =	ssyncadd.s32 @!p1 $0xFFFFFFF0;
	p1 =	sne.s32 s24, s12  }
.Ltmp1:
0x1f: {  	s2 =	sadd.s32 $0x1770, s23;
	(pc) =	sbr.rel @!p1 .LBB2_10-.Ltmp1, $4  }
0x20: {  	s6 =	smov.u32 s3;
	s31 =	sadd.s32 $0x1, s24;
	s17 =	sadd.s32 $0x1770, s17  }
0x21: {  	s18 =	sadd.s32 $0x1, s18;
	s25 =	smov.u32 s23;
	p2 =	slt.s32 s2, s4  }
0x22: {  	p0 =	por !p0, !p0;
	s19 =	sadd.s32 $0x1770, s19;
	s6 =	smov.u32 @p2 s2  }
0x23: {  	s20 =	sadd.s32 $0x1, s20;
	s23 =	smov.u32 s6;
	s24 =	smov.u32 s31  }
.LBB2_1:
0x24: {  	p1 =	sge.u32 s24, s9  }
0x25: {  	s0 =	smulhi.u32 @!p1 $0xAAAAAAAB, s24;
	_ =	sdelay $0x1  }
0x26: {  	s0 =	sshrl.u32 @!p1 s0, $0x1  }
0x27: {  	s0 =	smul.u32 @!p1 $0x3, s0;
	_ =	sdelay $0x1  }
0x28: {  	s0 =	ssub.s32 @!p1 s24, s0  }
0x29: {  	s0 =	smul.u32 @!p1 $0x5DC0, s0;
	_ =	sdelay $0x1  }
0x2a: {  	s2 =	sshrl.u32 @!p1 s23, $0x3;
	s0 =	sshrl.u32 @!p1 s0, $0x2  }
0x2b: {  	s22 =	sand.u32 @!p1 $0x7, s23;
	s2 =	sadd.s32 @!p1 s5, s2;
	s0 =	sadd.s32 @!p1 $0x100, s0  }
0x2c: {  	[tilespmem:s0], [sflag:$0x7] =	stream.linear.gather @!p1 [hbm4b:s2+s22], $0x1770, $0x38;
	[tilespmem:$0xD410] =	vst v63  }
0x2d: {  	s0 =	sadd.s32 $0xFFFFFFFF, s24  }
0x2e: {  	p1 =	sge.u32 s0, s9  }
.Ltmp2:
0x2f: {  	_ = 	snop;
	(pc) =	sbr.rel @p1 .LBB2_5-.Ltmp2, $1  }
0x30: {  	_ =	sdelay $0x3  }
0x31: {  	s2 =	smulhi.u32 $0xAAAAAAAB, s0;
	_ =	sdelay $0x1  }
0x32: {  	s2 =	sshrl.u32 s2, $0x1  }
0x33: {  	s2 =	smul.u32 $0x3, s2;
	_ =	sdelay $0x1  }
0x34: {  	s2 =	ssub.s32 s0, s2  }
0x35: {  	s2 =	smul.u32 $0x5DC0, s2  }
0x36: {  	_ =	swait.ge [sflag:s7], $0x1770  }
0x37: {  	[sflag:s7] =	ssyncset.done $0x0;
	s2 =	sshrl.u32 s2, $0x2  }
0x38: {  	[sflag:s7] =	ssyncadd.s32 $0xFFFFE890;
	(ifvalue) =	ssetifvalue $0xFFFFFFFF;
	v3 =	vld.msk [tilespmem:s2+$0x100 ss:$0x1], $0xffff;
	_ =	sdelay $0x2  }
0x39: {  	s30 =	smulhi.u32 $0xAAAAAAAB, s18;
	p1 =	sne.s32 s24, $0x1  }
0x3a: {  	v4 =	vimm.s32 @!p1 $0x0  }
0x3b: {  	s2 =	sshrl.u32 s30, $0x1;
	v4 =	vperm.xlane @!p1 v3, v4  }
0x3c: {  	s22 =	sshll.u32 s24, $0x4;
	s2 =	smul.u32 $0xFFFEE6C0, s2;
	vm4 =	vlt.u32 v3, $0x4E400  }
0x3d: {  	s22 =	sand.u32 $0x10, s22;
	v3 =	vnsel vm4, $0xFFFFFFFE, v3;
	vm4 =	vlt.u32 @!p1 v4, $0x4E400  }
0x3e: {  	s2 =	sshra.s32 s2, $0x2;
	[tilespmem:s22+$0x60] =	vst v3;
	v3 =	vnsel @!p1 vm4, $0xFFFFFFFE, v4  }
0x3f: {  	s28 =	sadd.s32 s2, s17;
	[tilespmem:$0x80] =	vst @!p1 v3  }
0x40: {  	v3 =	vld.msk [tilespmem:s28+$0x0 ss:$0x1], $0xffff;
	_ =	sdelay $0x4  }
0x41: {  	(xrf1) =	vunique.msk.u32 $0xffff, v3;
	_ =	sdelay $0xd  }
0x42: {  	v4 =	vimm.s32 $0xFFFFFFFF;
	v5, _, _ =	vpop (xrf1)  }
0x43: {  	vm5 =	vne.s32 v3, v4;
	vm4 =	veq.s32 v5, v2  }
0x44: {  	vm6 =	vlt.u32 v3, $0x4E400;
	vm4 =	vmand vm5, vm4  }
0x45: {  	vm4 =	vmand vm6, vm4  }
0x46: {  	v4 =	vnsel vm4, $0xFFFFFFFF, v3  }
0x47: {  	s31 =	sand.u32 $0x1, s0  }
0x48: {  	s0 =	simm.s32 $0x1770;
	p1 =	seq.s32 s31, $0x1  }
0x49: {  	s0 =	simm.s32 @!p1 $0x0  }
0x4a: {  	s26 =	sadd.s32 $0x5EB0, s0;
	(ifvalue) =	ssetifvalue $0xFFFFFFFF  }
0x4b: {  	v3 =	vperm.xlane v3, v1;
	[tilespmem:s26], [sflag:$0x8] =	stream.indirect_vreg.gather [hbm4b:s1+s16], $0x1, v4, vm0, $0x4038;
	v4 =	vnsel vm6, $0xFFFFFFFE, v4;
	[tilespmem:$0xD410] =	vst v63  }
0x4c: {  	s2 =	simm.s32 $0x0;
	s22 =	sadd.s32 $0xFFFFFFF0, s28;
	[tilespmem:s28+$0x0] =	vst v4  }
.LBB2_3:
0x4d: {  	v4 =	vld.msk [tilespmem:s22+$0x0 ss:$0x1], $0xffff;
	s2 =	sadd.s32 $0x10, s2;
	v5 =	vmov v3;
	s28 =	smov.u32 s22  }
0x4e: {  	p1 =	slt.u32 s2, $0x1760;
	_ =	sdelay $0x4  }
0x4f: {  	v3 =	vperm.xlane v4, v1;
	(xrf1) =	vunique.msk.u32 $0xffff, v4;
	_ =	sdelay $0xd  }
0x50: {  	v6, _, _ =	vpop (xrf1)  }
0x51: {  	vm5 =	vne.s32 v4, v5;
	vm4 =	veq.s32 v6, v2  }
0x52: {  	vm6 =	vlt.u32 v4, $0x4E400;
	vm4 =	vmand vm5, vm4  }
0x53: {  	vm4 =	vmand vm6, vm4  }
0x54: {  	v4 =	vnsel vm4, $0xFFFFFFFF, v4  }
.Ltmp3:
0x55: {  	v5 =	vnsel vm6, $0xFFFFFFFE, v4;
	(pc) =	sbr.rel @p1 .LBB2_3-.Ltmp3, $3  }
0x56: {  	_ =	sdelay $0x1  }
0x57: {  	s22 =	sadd.s32 $0xFFFFFFF0, s22;
	s26 =	sadd.s32 $0xFFFFFFF0, s26;
	(ifvalue) =	ssetifvalue $0xFFFFFFFF  }
0x58: {  	[tilespmem:s26], [sflag:$0x8] =	stream.indirect_vreg.gather [hbm4b:s1+s16], $0x1, v4, vm0, $0x4038;
	[tilespmem:s28+$0x0] =	vst v5  }
0x59: {  	s2 =	sshrl.u32 s25, $0x3;
	s6 =	rddreg [dreg:$0x2]  }
0x5a: {  	s0 =	sadd.s32 $0x7630, s0;
	s2 =	sadd.s32 s6, s2  }
0x5b: {  	[tilespmem:s0], [sflag:$0x8] =	stream.linear.gather [hbm:s2], $0x1770, $0x38;
	[tilespmem:$0xD410] =	vst v63  }
.LBB2_5:
0x5c: {  	p1 =	slt.u32 s24, $0x2  }
0x5d: {  	p2 =	sge.u32 @!p1 s24, s12  }
0x5e: {  	p1 =	por p1, p2  }
.Ltmp4:
0x5f: {  	_ = 	snop;
	(pc) =	sbr.rel @p1 .LBB2_9-.Ltmp4, $1  }
0x60: {  	_ =	sdelay $0x3  }
0x61: {  	s0 =	sadd.s32 $0xFFFFFFFE, s24  }
0x62: {  	s2 =	smulhi.u32 $0xAAAAAAAB, s0;
	_ =	sdelay $0x1  }
0x63: {  	s2 =	sshrl.u32 s2, $0x1  }
0x64: {  	s2 =	smul.u32 $0x3, s2;
	_ =	sdelay $0x1  }
0x65: {  	s0 =	ssub.s32 s0, s2  }
0x66: {  	_ =	swait.ge [sflag:s8], $0x2EE0;
	s0 =	smul.u32 $0x1770, s0  }
0x67: {  	p1 =	sne.s32 s24, s11;
	[sflag:s8] =	ssyncset.done $0x0  }
0x68: {  	[sflag:s8] =	ssyncadd.s32 $0xFFFFD120;
	s2 =	sadd.s32 @!p1 $0x186F, s0  }
0x69: {  	[spmem:s13] =	stream.linear.scatter @!p1 [tilespmem:s2], [sflag:$0x1], $0x1, $0x38;
	[tilespmem:$0xD410] =	vst v63  }
0x6a: {  	s2 =	simm.s32 @!p1 $0x1  }
0x6b: {  	_ =	swait.ge @!p1 [sflag:s2], $0x1  }
0x6c: {  	s22 =	sshll.u32 s24, $0x4;
	[sflag:s2] =	ssyncset.done @!p1 $0x0  }
0x6d: {  	s25 =	sand.u32 $0x10, s22;
	[sflag:s2] =	ssyncadd.s32 @!p1 $0xFFFFFFFF  }
0x6e: {  	s2 =	sxor.u32 $0x10, s25;
	v4 =	vld [tilespmem:s25+$0x10]  }
0x6f: {  	v5 =	vld [tilespmem:s2+$0x60]  }
0x70: {  	v3 =	vld [tilespmem:$0x80];
	_ =	sdelay $0x2  }
0x71: {  	(v2sf) =	vpush v4, $0x0  }
0x72: {  	(v2sf) =	vpush v5, $0x0  }
0x73: {  	(v2sf) =	vpush v3, $0x0;
	_ =	sdelay $0xc  }
0x74: {  	s6 =	spop (v2sf)  }
0x75: {  	s28 =	spop (v2sf)  }
0x76: {  	s26 =	spop (v2sf)  }
0x77: {  	p2 =	seq.s32 s6, s28;
	p3 =	seq.s32 s26, s6  }
0x78: {  	p3 =	por p2, p3  }
0x79: {  	s6 =	sand.u32 $0x1, s24;
	v4 =	vpsel p3, $0xFFFFFFFF, v4  }
0x7a: {  	s28 =	smul.u32 $0x1770, s6;
	[tilespmem:s25+$0x10] =	vst.msk $0x1, v4  }
0x7b: {  	v4 =	vld [tilespmem:$0x30]  }
0x7c: {  	v5 =	vld [tilespmem:s28+$0x7630]  }
0x7d: {  	v6 =	vld [tilespmem:s25+$0x40];
	_ =	sdelay $0x3  }
0x7e: {  	vm4 =	vmmov vm1;
	v5 =	vadd.f32 v5, v4  }
0x7f: {  	vm5 =	vmmov vm2;
	vm4 =	vmmov @p2 vm2;
	v4 =	vadd.f32 v6, v4  }
0x80: {  	s22 =	sshll.u32 s6, $0x4;
	vm5 =	vmmov @p3 vm1;
	[tilespmem:s28+$0x7630] =	vst.msk vm4, v5  }
0x81: {  	[tilespmem:s22+$0xD3F0] =	vst.msk vm5, v4  }
0x82: {  	v4 =	vld [tilespmem:s28+$0x5EB0];
	_ =	sdelay $0x3  }
0x83: {  	v5 =	vimm.f32 $0.0e+00  }
0x84: {  	v4 =	vshift.insert v4, v5, s21  }
0x85: {  	s29 =	sor.u32 $0x40, s2  }
0x86: {  	[tilespmem:s29+$0x0] =	vst.msk $0x1, v4  }
0x87: {  	[tilespmem:s28+$0x5EBF] =	vst.msk $0x1, v5  }
0x88: {  	v4 =	vld [tilespmem:s0+$0x1860];
	_ =	sdelay $0x1  }
0x89: {  	s29 =	smulhi.u32 $0xAAAAAAAB, s20;
	s0 =	simm.s32 $0x1  }
0x8a: {  	s0 =	simm.s32 @!p0 $0x0  }
0x8b: {  	s29 =	sshrl.u32 s29, $0x1;
	s0 =	smul.u32 $0x5DC0, s0  }
0x8c: {  	s29 =	smul.u32 $0xFFFEE6C0, s29;
	v4 =	vshift.insert v4, v1, s21  }
0x8d: {  	s0 =	sshrl.u32 s0, $0x2  }
0x8e: {  	s29 =	sshra.s32 s29, $0x2;
	s30 =	sadd.s32 $0x7630, s0;
	[tilespmem:s2+$0x10] =	vst.msk $0x1, v4  }
0x8f: {  	s6 =	sadd.s32 s29, s19;
	v6 =	vld [tilespmem:s30+$0x0]  }
0x90: {  	v7 =	vld [tilespmem:s6+$0x0];
	_ =	sdelay $0x3  }
0x91: {  	v5 =	vadd.f32 v6, v5  }
0x92: {  	vm4 =	vne.s32 v7, $0xFFFFFFFF  }
0x93: {  	(xrf2) =	vadd.seg.scan.f32 vm4, v5;
	_ =	sdelay $0x3  }
0x94: {  	s31 =	sadd.s32 $0x4750, s0;
	v5 =	vperm.xlane v4, v1  }
0x95: {  	v6 =	vld [tilespmem:s31+$0x0]  }
0x96: {  	vm5 =	veq.s32 v7, v3;
	vm6 =	veq.s32 v7, v5  }
0x97: {  	vm7 =	vgt.u32 v7, $0xFFFFFFFD;
	vm6 =	vmor vm6, vm5  }
0x98: {  	vm6 =	vmor vm6, vm7  }
0x99: {  	v9 =	vld [tilespmem:$0xA0];
	v7 =	vsel vm6, $0xFFFFFFFF, v7  }
0x9a: {  	v10 =	vld [tilespmem:$0x90];
	v6 =	vsel vm5, $0x0, v6;
	v8, _, _ =	vpop (xrf2)  }
0x9b: {  	v6 =	vadd.f32 v8, v6  }
0x9c: {  	s0 =	sadd.s32 $0xA510, s0  }
0x9d: {  	vm4 =	vmand vm4, vm3;
	[tilespmem:s0+$0x0] =	vst v6;
	(ifvalue) =	ssetifvalue $0xFFFFFFFF  }
0x9e: {  	vm6 =	veq.s32 v9, $0x1;
	[hbm4b:s1+s16] =	stream.indirect_vreg.scatter [tilespmem:s0], [sflag:$0x2], $0x1, v7, vm0, $0x4038;
	v7 =	vsel vm4, $0x0, v8;
	[tilespmem:$0xD410] =	vst v63  }
0x9f: {  	s29 =	sadd.s32 $0xD3F0, s22;
	s22 =	sadd.s32 $0x10, s6;
	s2 =	simm.s32 $0x0;
	vm4 =	vmor vm6, vm5;
	v6 =	vsel vm5, v8, v10;
	v7 =	vshift.insert v7, v0, s21  }
.LBB2_7:
0xa0: {  	v8 =	vld [tilespmem:s22+$0x0];
	s30 =	sadd.s32 $0x10, s30  }
0xa1: {  	s31 =	sadd.s32 $0x10, s31;
	v9 =	vld [tilespmem:s30+$0x0]  }
0xa2: {  	s2 =	sadd.s32 $0x10, s2;
	v10 =	vld [tilespmem:s31+$0x0]  }
0xa3: {  	p2 =	slt.u32 s2, $0x1760;
	_ =	sdelay $0x2  }
0xa4: {  	v7 =	vadd.f32 v9, v7  }
0xa5: {  	vm5 =	vne.s32 v8, $0xFFFFFFFF  }
0xa6: {  	vm6 =	vmand vm5, vm3;
	(xrf2) =	vadd.seg.scan.f32 vm5, v7;
	_ =	sdelay $0x5  }
0xa7: {  	vm7 =	veq.s32 v8, v5;
	vm5 =	veq.s32 v8, v3  }
0xa8: {  	vm8 =	vgt.u32 v8, $0xFFFFFFFD;
	vm4 =	vmor vm4, vm5;
	vm7 =	vmor vm7, vm5  }
0xa9: {  	vm7 =	vmor vm7, vm8  }
0xaa: {  	v8 =	vsel vm7, $0xFFFFFFFF, v8  }
.Ltmp5:
0xab: {  	v7 =	vsel vm5, $0x0, v10;
	v9, _, _ =	vpop (xrf2);
	(pc) =	sbr.rel @p2 .LBB2_7-.Ltmp5, $4  }
0xac: {  	v6 =	vsel vm5, v9, v6;
	v10 =	vadd.f32 v9, v7;
	v7 =	vsel vm6, $0x0, v9  }
0xad: {  	s0 =	sadd.s32 $0x10, s0;
	v7 =	vshift.insert v7, v0, s21  }
0xae: {  	s22 =	sadd.s32 $0x10, s22;
	[tilespmem:s0+$0x0] =	vst v10;
	(ifvalue) =	ssetifvalue $0xFFFFFFFF  }
0xaf: {  	[hbm4b:s1+s16] =	stream.indirect_vreg.scatter [tilespmem:s0], [sflag:$0x2], $0x1, v8, vm0, $0x4038;
	[tilespmem:$0xD410] =	vst v63  }
0xb0: {  	v3 =	vld [tilespmem:s28+$0xBC70];
	_ =	sdelay $0x4  }
0xb1: {  	v3 =	vshift.insert v3, v0, s21  }
0xb2: {  	s0 =	simm.s32 $0x30  }
0xb3: {  	[tilespmem:s0+$0x0] =	vst.msk $0x1, v3  }
0xb4: {  	v3 =	vsel vm4, $0x1, v1;
	[tilespmem:$0x90] =	vst v6  }
0xb5: {  	s0 =	sadd.s32 @!p1 $0xBC7F, s28;
	[tilespmem:$0xA0] =	vst v3  }
0xb6: {  	[spmem:s14] =	stream.linear.scatter @!p1 [tilespmem:s0], [sflag:$0x1], $0x1, $0x38;
	[tilespmem:$0xD410] =	vst v63  }
0xb7: {  	s0 =	simm.s32 @!p1 $0x1  }
0xb8: {  	v3 =	vmctz.xlane @!p1 vm4;
	_ =	swait.ge @!p1 [sflag:s0], $0x1  }
0xb9: {  	(v2sf) =	vpush @!p1 v4, $0x0  }
0xba: {  	(v2sf) =	vpush @!p1 v3, $0x0;
	_ =	sdelay $0xd  }
0xbb: {  	s2 =	spop @!p1 (v2sf)  }
0xbc: {  	s6 =	spop @!p1 (v2sf)  }
0xbd: {  	p2 =	sne.s32 @!p1 s26, s2;
	p3 =	slt.s32 @!p1 s6, $0xF  }
0xbe: {  	[sflag:s0] =	ssyncset.done @!p1 $0x0;
	p2 =	por p2, p1;
	p3 =	por !p3, p1  }
0xbf: {  	[sflag:s0] =	ssyncadd.s32 @!p1 $0xFFFFFFFF;
	v3 =	vimm.s32 @!p2 $0xFFFFFFFF;
	s6 =	simm.s32 @p3 $0xF  }
0xc0: {  	[tilespmem:$0x80] =	vst @!p2 v3;
	s2 =	sadd.s32 @!p1 $0x90, s6  }
0xc1: {  	[spmem:s10] =	stream.linear.scatter @!p1 [tilespmem:s2], [sflag:$0x1], $0x1, $0x38;
	[tilespmem:$0xD410] =	vst v63  }
0xc2: {  	_ =	swait.ge @!p1 [sflag:s0], $0x1  }
0xc3: {  	[sflag:s0] =	ssyncset.done @!p1 $0x0  }
0xc4: {  	s2 =	simm.s32 @!p1 $0x80;
	[sflag:s0] =	ssyncadd.s32 @!p1 $0xFFFFFFFF  }
0xc5: {  	[spmem:s15] =	stream.linear.scatter @!p1 [tilespmem:s2], [sflag:$0x1], $0x1, $0x38;
	[tilespmem:$0xD410] =	vst v63  }
0xc6: {  	_ =	swait.ge @!p1 [sflag:s0], $0x1  }
0xc7: {  	[sflag:s0] =	ssyncset.done @!p1 $0x0  }
0xc8: {  	[sflag:s0] =	ssyncadd.s32 @!p1 $0xFFFFFFFF;
	(ifvalue) =	ssetifvalue $0xFFFFFFFF;
	v3 =	vld [tilespmem:s25+$0x10];
	_ =	sdelay $0x3  }
.Ltmp6:
0xc9: {  	_ = 	snop;
	(pc) =	sbr.rel .LBB2_9-.Ltmp6, $3  }
0xca: {  	_ =	sdelay $0x1  }
0xcb: {  	(ifvalue) =	ssetifvalue $0xFFFFFFFF  }
0xcc: {  	[hbm4b:s1+s16] =	stream.indirect_vreg.scatter [tilespmem:s29], [sflag:$0x9], $0x1, v3, vm0, $0x4038;
	[tilespmem:$0xD410] =	vst v63  }
.LBB2_10:
0xcd: {  	_ =	sfence.sel $0x180000  }
0xce: {  	s0 =	simm.s32 $0x7;
	[bflag:$0x0] =	sbarrier.arrive $0xFFFF  }
0xcf: {  	s26 =	simm.s32 $0x8;
	[sflag:s0] =	ssyncpa.u1 $0x1  }
0xd0: {  	s28 =	simm.s32 $0x9;
	[sflag:s26] =	ssyncpa.u1 $0x1  }
0xd1: {  	[sflag:s28] =	ssyncpa.u1 $0x1  }
0xd2: {  	_ =	sfence.stream.spmem  }
0xd3: {  	s29 =	simm.s32 $0x3;
	[bflag:$0x0] =	sbarrier.arrive $0xFFFF  }
0xd4: {  	s30 =	simm.s32 $0x4;
	[sflag:s29] =	ssyncpa.u1 $0x1  }
0xd5: {  	s31 =	simm.s32 $0x3C;
	s2 =	stileid.u32;
	[sflag:s30] =	ssyncpa.u1 $0x1  }
0xd6: {  	p0 =	sne.s32 s2, $0x0;
	[sflag:s31] =	ssyncpa.u1 $0x1  }
0xd7: {  	s0 =	simm.s32 @p0 $0x1;
	_ =	sfence @p0  }
0xd8: {  	[sflag:s0] =	ssyncpa.u1 @p0 $0x1;
	s0 =	simm.s32 @p0 $0x2  }
0xd9: {  	[sflag:s0] =	ssyncpa.u1 @p0 $0x1  }
0xda: {  	_ =	strace @p0 $0x9000004D  }
0xdb: {  	[bflag:$0x2] =	sbarrier.arrive @p0 $0xFFFF  }
0xdc: {  	_ =	shalt @p0  }
.LBB2_11:
0xdd: {  	_ =	sfence.stream.spmem;
	s0 =	simm.s32 $0x5  }
0xde: {  	s2 =	simm.s32 $0x80;
	s3 =	simm.s32 $0xC0;
	[sflag:s0] =	ssyncpa.u1 $0x0  }
0xdf: {  	[tilespmem:s3], [sflag:$0x5] =	stream.linear.gather [spmem:s2], $0x20, $0x38;
	[tilespmem:$0xD410] =	vst v63  }
0xe0: {  	s2 =	simm.s32 $0x0;
	s3 =	simm.s32 $0xE0  }
0xe1: {  	[tilespmem:s3], [sflag:$0x5] =	stream.linear.gather [spmem:s2], $0x20, $0x38;
	[tilespmem:$0xD410] =	vst v63  }
.Ltmp7:
0xe2: {  	_ = 	snop;
	(pc) =	sbr.rel .LBB2_12-.Ltmp7, $4  }
0xe3: {  	_ =	swait.ge [sflag:s0], $0x40  }
0xe4: {  	[sflag:s0] =	ssyncset.done $0x0  }
0xe5: {  	s31 =	simm.s32 $0x6;
	[sflag:s0] =	ssyncadd.s32 $0xFFFFFFC0  }
0xe6: {  	s4 =	simm.s32 $0x0;
	[sflag:s31] =	ssyncpa.u1 $0x0  }
.LBB2_17:
0xe7: {  	p0 =	sgt.u32 s5, $0x4E3FF  }
0xe8: {  	s0 =	sshrl.u32 @!p0 s5, $0x3  }
0xe9: {  	s5 =	sand.u32 @!p0 $0x7, s5;
	s6 =	simm.s32 @!p0 $0xB0;
	s0 =	sadd.s32 @!p0 s1, s0  }
0xea: {  	[tilespmem:s6], [sflag:$0x6] =	stream.linear.gather @!p0 [hbm4b:s0+s5], $0x1, $0x38;
	[tilespmem:$0xD410] =	vst v63  }
0xeb: {  	s0 =	simm.s32 @!p0 $0x6  }
0xec: {  	_ =	swait.ge @!p0 [sflag:s0], $0x1  }
0xed: {  	[sflag:s0] =	ssyncset.done @!p0 $0x0  }
0xee: {  	[sflag:s0] =	ssyncadd.s32 @!p0 $0xFFFFFFFF  }
0xef: {  	v2 =	vmov @!p0 s4;
	v1 =	vld.msk @!p0 [tilespmem:$0xB0], $0x1;
	_ =	sdelay $0x3  }
0xf0: {  	s0 =	simm.s32 @!p0 $0xE0  }
0xf1: {  	[tilespmem:v2+s0+$0x0], v1 =	vst.idx.ret.add.f32.msk @!p0 $0x1, v1  }
0xf2: {  	[tilespmem:s2+$0xC0] =	vst.msk $0x1, v0  }
0xf3: {  	v0 =	vld.msk [tilespmem:s4+$0xE0], $0x1;
	_ =	sdelay $0x4  }
0xf4: {  	[tilespmem:s2+$0xE0] =	vst.msk $0x1, v0;
	s2 =	sadd.s32 $0x1, s2  }
.LBB2_19:
0xf5: {  	s4 =	sadd.s32 $0x1, s4  }
0xf6: {  	p0 =	sne.s32 s4, $0x20  }
.Ltmp8:
0xf7: {  	_ = 	snop;
	(pc) =	sbr.rel @!p0 .LBB2_20-.Ltmp8, $1  }
0xf8: {  	_ =	sdelay $0x3  }
.LBB2_12:
0xf9: {  	v0 =	vld.msk [tilespmem:s4+$0xC0], $0x1;
	_ =	sdelay $0x4  }
0xfa: {  	(v2sf) =	vpush v0, $0x0;
	_ =	sdelay $0xe  }
0xfb: {  	s5 =	spop (v2sf)  }
0xfc: {  	p0 =	seq.s32 s5, $0xFFFFFFFF  }
.Ltmp9:
0xfd: {  	_ = 	snop;
	(pc) =	sbr.rel @p0 .LBB2_19-.Ltmp9, $1  }
0xfe: {  	_ =	sdelay $0x3  }
0xff: {  	p0 =	slt.s32 s2, $0x1  }
.Ltmp10:
0x100: {  	_ = 	snop;
	(pc) =	sbr.rel @p0 .LBB2_17-.Ltmp10, $1  }
0x101: {  	_ =	sdelay $0x3  }
0x102: {  	s0 =	simm.s32 $0xC0;
	p0 =	por $0x0, $0x0  }
0x103: {  	v1 =	vld.msk @!p0 [tilespmem:s0+$0x0], $0x1;
	_ =	sdelay $0x4  }
0x104: {  	(v2sf) =	vpush @!p0 v1, $0x0;
	_ =	sdelay $0xd  }
0x105: {  	p2 =	sne.s32 s2, $0x1  }
.Ltmp11:
0x106: {  	s6 =	spop @!p0 (v2sf);
	(pc) =	sbr.rel @!p2 .LBB2_16-.Ltmp11, $4  }
0x107: {  	p1 =	seq.s32 @!p0 s5, s6  }
0x108: {  	s6 =	simm.s32 $0x0;
	p1 =	por !p1, p0  }
0x109: {  	s8 =	simm.s32 $0xFFFFFFFF;
	s6 =	simm.s32 @p1 $0xFFFFFFFF  }
0x10a: {  	s7 =	simm.s32 $0x1;
	s6 =	smov.u32 @p0 s8  }
.LBB2_15:
0x10b: {  	s8 =	smov.u32 s6;
	p0 =	sne.s32 s6, $0xFFFFFFFF  }
0x10c: {  	s0 =	sadd.s32 $0x1, s0;
	s6 =	smov.u32 s7;
	s7 =	sadd.s32 $0x1, s7  }
0x10d: {  	p1 =	sne.s32 s2, s7;
	v1 =	vld.msk @!p0 [tilespmem:s0+$0x0], $0x1;
	_ =	sdelay $0x4  }
0x10e: {  	(v2sf) =	vpush @!p0 v1, $0x0;
	_ =	sdelay $0xe  }
.Ltmp12:
0x10f: {  	s9 =	spop @!p0 (v2sf);
	(pc) =	sbr.rel @p1 .LBB2_15-.Ltmp12, $4  }
0x110: {  	p2 =	seq.s32 @!p0 s5, s9  }
0x111: {  	p2 =	por !p2, p0  }
0x112: {  	s6 =	simm.s32 @p2 $0xFFFFFFFF  }
0x113: {  	s6 =	smov.u32 @p0 s8  }
.LBB2_16:
0x114: {  	p0 =	sne.s32 s6, $0xFFFFFFFF  }
.Ltmp13:
0x115: {  	_ = 	snop;
	(pc) =	sbr.rel @!p0 .LBB2_17-.Ltmp13, $1  }
0x116: {  	_ =	sdelay $0x3  }
0x117: {  	v0 =	vld.msk [tilespmem:s4+$0xE0], $0x1;
	v1 =	vmov s6  }
.Ltmp14:
0x118: {  	_ = 	snop;
	(pc) =	sbr.rel .LBB2_19-.Ltmp14, $2  }
0x119: {  	_ =	sdelay $0x2  }
0x11a: {  	[tilespmem:v1+s3+$0x0], v0 =	vst.idx.ret.add.f32.msk $0x1, v0  }
.LBB2_20:
0x11b: {  	p0 =	slt.s32 s2, $0x1  }
.Ltmp15:
0x11c: {  	_ = 	snop;
	(pc) =	sbr.rel @p0 .LBB2_24-.Ltmp15, $3  }
0x11d: {  	_ =	sdelay $0x1  }
0x11e: {  	s0 =	simm.s32 $0x6  }
0x11f: {  	s3 =	simm.s32 $0x0;
	[sflag:s0] =	ssyncpa.u1 $0x1  }
0x120: {  	s0 =	simm.s32 $0xC0  }
0x121: {  	v0 =	vld.msk [tilespmem:s0+$0x0], $0x1;
	_ =	sdelay $0x4  }
0x122: {  	(v2sf) =	vpush v0, $0x0;
	_ =	sdelay $0xe  }
0x123: {  	s2 =	sadd.s32 $0xFFFFFFFF, s2;
	s4 =	spop (v2sf)  }
0x124: {  	p1 =	sne.s32 s2, $0x0;
	p0 =	sgt.u32 s4, $0x4E3FF  }
.Ltmp16:
0x125: {  	s5 =	sshrl.u32 @!p0 s4, $0x3;
	(pc) =	sbr.rel @!p1 .LBB2_23-.Ltmp16, $4  }
0x126: {  	s0 =	simm.s32 $0xE0;
	s4 =	sand.u32 @!p0 $0x7, s4;
	s5 =	sadd.s32 @!p0 s1, s5  }
0x127: {  	[hbm4b:s5+s4] =	stream.linear.scatter @!p0 [tilespmem:s0], [sflag:$0x5], $0x1, $0x38;
	[tilespmem:$0xD410] =	vst v63  }
0x128: {  	s5 =	simm.s32 $0x0  }
0x129: {  	s4 =	simm.s32 $0xC1;
	s5 =	simm.s32 @!p0 $0x4  }
.LBB2_22:
0x12a: {  	v0 =	vld.msk [tilespmem:s4+$0x0], $0x1;
	s2 =	sadd.s32 $0xFFFFFFFF, s2;
	s3 =	sadd.s32 s3, s5  }
0x12b: {  	p0 =	sne.s32 s2, $0x0;
	_ =	sdelay $0x3  }
0x12c: {  	(v2sf) =	vpush v0, $0x0;
	_ =	sdelay $0xe  }
.Ltmp17:
0x12d: {  	s6 =	spop (v2sf);
	(pc) =	sbr.rel @p0 .LBB2_22-.Ltmp17, $4  }
0x12e: {  	s5 =	simm.s32 $0x0;
	p1 =	sgt.u32 s6, $0x4E3FF  }
0x12f: {  	s0 =	sadd.s32 $0x1, s0;
	s5 =	simm.s32 @!p1 $0x4;
	s7 =	sshrl.u32 @!p1 s6, $0x3  }
0x130: {  	s4 =	sadd.s32 $0x1, s4;
	s6 =	sand.u32 @!p1 $0x7, s6;
	s7 =	sadd.s32 @!p1 s1, s7  }
0x131: {  	[hbm4b:s7+s6] =	stream.linear.scatter @!p1 [tilespmem:s0], [sflag:$0x5], $0x1, $0x38;
	[tilespmem:$0xD410] =	vst v63  }
.LBB2_23:
0x132: {  	s0 =	sadd.s32 s3, s5  }
0x133: {  	s3 =	sshrl.u32 s0, $0x2  }
.LBB2_24:
0x134: {  	s0 =	simm.s32 $0x5  }
0x135: {  	_ =	swait.ge [sflag:s0], s3  }
0x136: {  	s1 =	ssub.s32 $0x0, s3;
	[sflag:s0] =	ssyncset.done $0x0  }
0x137: {  	[sflag:s0] =	ssyncadd.s32 s1  }
0x138: {  	[sflag:s0] =	ssyncpa.u1 $0x1  }
0x139: {  	s29 =	simm.s32 $0x1;
	_ =	sfence  }
0x13a: {  	s30 =	simm.s32 $0x2;
	[sflag:s29] =	ssyncpa.u1 $0x1  }
0x13b: {  	[sflag:s30] =	ssyncpa.u1 $0x1  }
0x13c: {  	_ =	strace $0x9000004D  }
0x13d: {  	[bflag:$0x2] =	sbarrier.arrive $0xFFFF  }
0x13e: {  	s31 =	rddreg [dreg:$0x1]  }
0x13f: {  	s0 =	sadd.s32 $0x100000, s31  }
0x140: {  	[sflag:s0] =	ssyncadd.tile.s32 $0x1;
	_ =	shalt  }
.Lfunc_end2:
_tile_overlayer_lowered:
.L_overlay_start_2:
0x141: {  	(tag) =	ssettag $0x2  }
0x142: {  	s0 =	rddreg [dreg:$0x0];
	s2 =	stileid.u32  }
0x143: {  	s1 =	rddreg [dreg:$0x1];
	p0 =	sne.s32 s2, $0x0  }
0x144: {  	s3 =	rddreg [dreg:$0x2];
	[bflag:$0x3] =	sbarrier.arrive $0xFFFF;
	s2 =	simm.s32 @!p0 $0x1C01  }
0x145: {  	[timem:s3], [sflag:s2] =	dma.local @!p0 [hbm:s0], s1  }
0x146: {  	s0 =	simm.s32 @!p0 $0x1  }
0x147: {  	_ =	swait.ge @!p0 [sflag:s0], s1  }
0x148: {  	s1 =	ssub.s32 @!p0 $0x0, s1;
	[sflag:s0] =	ssyncset.done @!p0 $0x0  }
0x149: {  	[sflag:s0] =	ssyncadd.s32 @!p0 s1  }
0x14a: {  	[bflag:$0x3] =	sbarrier.arrive $0xFFFF  }
0x14b: {  	_ =	shalt  }

// kernel: scatter_offload_async_start
scs
__scs_entry_jumppad:
0x0: {  	(pc) =	sbr.rel $0x88, $3  }
0x1: {  	(tag) =	ssettag $0x0;
	lr =	simm.s32 $0x1  }
0x2: {  	[smem:$0x3F93] =	sst lr;
	_ =	strace $0xD0000000  }
0x3: {  	_ = 	snop  }
0x4: {  	_ = 	snop  }
0x5: {  	_ = 	snop  }
0x6: {  	_ = 	snop  }
0x7: {  	_ = 	snop  }
__scs_overlays_trampoline_lowered:
0x8: {  	[smem:$0x3FA2] =	sst s0  }
0x9: {  	[smem:$0x3FA3] =	sst s1  }
0xa: {  	[smem:$0x3FA4] =	sst s2  }
0xb: {  	[smem:$0x3FA5] =	sst s3  }
0xc: {  	[smem:$0x3FA6] =	sst s4  }
0xd: {  	[smem:$0x3FA7] =	sst s5  }
0xe: {  	[smem:$0x3FA8] =	sst s6  }
0xf: {  	[smem:$0x3FA9] =	sst s7  }
0x10: {  	[smem:$0x3FAA] =	sst s8  }
0x11: {  	[smem:$0x3FAB] =	sst s9;
	s0 =	simm.s32 @!p0 $0x0  }
0x12: {  	s1 =	sld [smem:$0x3F91];
	s0 =	simm.s32 @p0 $0x1  }
0x13: {  	[smem:$0x3FAC] =	sst s0;
	s0 =	simm.s32 @!p1 $0x0  }
0x14: {  	s2 =	sld [smem:$0x3F90];
	s0 =	simm.s32 @p1 $0x1  }
0x15: {  	[smem:$0x3FAD] =	sst s0;
	s0 =	simm.s32 @!p2 $0x0  }
0x16: {  	s3 =	sld [smem:$0x3FDB];
	s0 =	simm.s32 @p2 $0x1  }
0x17: {  	s4 =	simm.s32 $0x1BF5;
	[smem:$0x3FAF] =	sst s0  }
0x18: {  	s0 =	sld [smem:$0x3F92];
	_ =	swait.ge [sflag:s4], $0x0  }
0x19: {  	s7 =	sld [smem:$0x3F93]  }
0x1a: {  	s8 =	sadd.s32 $0xFFFFE003, lr  }
0x1b: {  	s9 =	sadd.s32 $0xFFFFFEF7, lr;
	s5 =	simm.s32 $0xFFFFFFFF;
	p2 =	slt.u32 s8, $0xFFFFF086  }
0x1c: {  	p1 =	slt.u32 s9, $0xF7A;
	s5 =	simm.s32 @!p2 $0x0  }
0x1d: {  	s5 =	simm.s32 @p1 $0x1;
	p0 =	seq.s32 s7, s2  }
0x1e: {  	s7 =	smul.u32 @!p0 $0xF7A, s2;
	p2 =	seq.s32 @!p0 s5, $0x0  }
0x1f: {  	s9 =	smul.u32 $0xF7A, s1;
	s8 =	simm.s32 @!p0 $0x1BF5;
	p2 =	por !p2, p0  }
0x20: {  	[sflag:s8] =	ssyncset.s32 @!p0 $0xFFFFF086;
	s6 =	sadd.s32 @!p0 s3, s7;
	s7 =	simm.s32 @!p0 $0x108  }
0x21: {  	s3 =	sadd.s32 s3, s9;
	s6 =	sadd.s32 @!p0 $0x88, s6;
	s7 =	simm.s32 @p2 $0x1082  }
0x22: {  	[simem:s7], [sflag:s8] =	dma.local @!p0 [hbm:s6], $0xF7A  }
0x23: {  	s9 =	sor.u32 $0xD0000000, s2;
	s6 =	simm.s32 $0x108;
	_ =	swait.ge @!p0 [sflag:s8], $0x0  }
0x24: {  	s3 =	sadd.s32 $0x88, s3;
	s6 =	simm.s32 @!p1 $0x1082;
	[sflag:s4] =	ssyncset.s32 $0xFFFFF086  }
0x25: {  	[simem:s6], [sflag:s4] =	dma.local [hbm:s3], $0xF7A  }
0x26: {  	[smem:$0x3F93] =	sst s1;
	(tag) =	ssettag s2;
	_ =	strace s9  }
0x27: {  	s1 =	sld [smem:$0x3FA3]  }
0x28: {  	s2 =	sld [smem:$0x3FA4]  }
0x29: {  	s4 =	sld [smem:$0x3FA6]  }
0x2a: {  	p0 =	seq.s32 s5, $0x0;
	s5 =	sld [smem:$0x3FA7]  }
0x2b: {  	s6 =	sld [smem:$0x3FA8]  }
0x2c: {  	s7 =	sld [smem:$0x3FA9]  }
0x2d: {  	s3 =	simm.s32 $0x108;
	s8 =	sld [smem:$0x3FAA]  }
0x2e: {  	s3 =	simm.s32 @!p0 $0x1082;
	s9 =	sld [smem:$0x3FAB]  }
0x2f: {  	lr =	sadd.s32 s0, s3;
	s0 =	sld [smem:$0x3FA2]  }
0x30: {  	s3 =	sld [smem:$0x3FA5]  }
0x31: {  	[smem:$0x3FAE] =	sst s10  }
0x32: {  	s10 =	sld [smem:$0x3FAC];
	_ =	sdelay $0x3  }
0x33: {  	p0 =	seq.s32 s10, $0x1;
	s10 =	sld [smem:$0x3FAE];
	_ =	sdelay $0x3  }
0x34: {  	[smem:$0x3FAE] =	sst s10  }
0x35: {  	s10 =	sld [smem:$0x3FAD];
	_ =	sdelay $0x3  }
0x36: {  	p1 =	seq.s32 s10, $0x1;
	s10 =	sld [smem:$0x3FAE];
	_ =	sdelay $0x3  }
0x37: {  	[smem:$0x3FAE] =	sst s10  }
0x38: {  	s10 =	sld [smem:$0x3FAF]  }
0x39: {  	_ = 	snop;
	(pc) =	sbr.ind lr, $3  }
0x3a: {  	_ = 	snop  }
0x3b: {  	_ = 	snop  }
0x3c: {  	p2 =	seq.s32 s10, $0x1;
	s10 =	sld [smem:$0x3FAE]  }
0x3d: {  	_ =	shalt  }
0x3e: {  	_ =	shalt  }
0x3f: {  	_ =	shalt  }
0x40: {  	_ =	shalt  }
0x41: {  	_ =	shalt  }
0x42: {  	_ =	shalt  }
0x43: {  	_ =	shalt  }
0x44: {  	_ =	shalt  }
0x45: {  	_ =	shalt  }
0x46: {  	_ =	shalt  }
0x47: {  	_ =	shalt  }
0x48: {  	_ =	shalt  }
0x49: {  	_ =	shalt  }
0x4a: {  	_ =	shalt  }
0x4b: {  	_ =	shalt  }
0x4c: {  	_ =	shalt  }
0x4d: {  	_ =	shalt  }
0x4e: {  	_ =	shalt  }
0x4f: {  	_ =	shalt  }
0x50: {  	_ =	shalt  }
0x51: {  	_ =	shalt  }
0x52: {  	_ =	shalt  }
0x53: {  	_ =	shalt  }
0x54: {  	_ =	shalt  }
0x55: {  	_ =	shalt  }
0x56: {  	_ =	shalt  }
0x57: {  	_ =	shalt  }
0x58: {  	_ =	shalt  }
0x59: {  	_ =	shalt  }
0x5a: {  	_ =	shalt  }
0x5b: {  	_ =	shalt  }
0x5c: {  	_ =	shalt  }
0x5d: {  	_ =	shalt  }
0x5e: {  	_ =	shalt  }
0x5f: {  	_ =	shalt  }
0x60: {  	_ =	shalt  }
0x61: {  	_ =	shalt  }
0x62: {  	_ =	shalt  }
0x63: {  	_ =	shalt  }
0x64: {  	_ =	shalt  }
0x65: {  	_ =	shalt  }
0x66: {  	_ =	shalt  }
0x67: {  	_ =	shalt  }
0x68: {  	_ =	shalt  }
0x69: {  	_ =	shalt  }
0x6a: {  	_ =	shalt  }
0x6b: {  	_ =	shalt  }
0x6c: {  	_ =	shalt  }
0x6d: {  	_ =	shalt  }
0x6e: {  	_ =	shalt  }
0x6f: {  	_ =	shalt  }
0x70: {  	_ =	shalt  }
0x71: {  	_ =	shalt  }
0x72: {  	_ =	shalt  }
0x73: {  	_ =	shalt  }
0x74: {  	_ =	shalt  }
0x75: {  	_ =	shalt  }
0x76: {  	_ =	shalt  }
0x77: {  	_ =	shalt  }
0x78: {  	_ =	shalt  }
0x79: {  	_ =	shalt  }
0x7a: {  	_ =	shalt  }
0x7b: {  	_ =	shalt  }
0x7c: {  	_ =	shalt  }
0x7d: {  	_ =	shalt  }
0x7e: {  	_ =	shalt  }
0x7f: {  	_ =	shalt  }
0x80: {  	_ =	shalt  }
0x81: {  	_ =	shalt  }
0x82: {  	_ =	shalt  }
0x83: {  	_ =	shalt  }
0x84: {  	_ =	shalt  }
0x85: {  	_ =	shalt  }
0x86: {  	_ =	shalt  }
0x87: {  	_ =	shalt  }
.Lfunc_end0:
.L_simem_size_0:
called_computation_lowered:
.L_overlay_start_0:
0x88: {  	s2 =	sld [smem:$0x3FD9]  }
0x89: {  	s3 =	sld [smem:$0x3FFE];
	_ =	sdelay $0x1  }
0x8a: {  	s1 =	srdreg.scid  }
0x8b: {  	s0 =	sand.u32 $0x1, s1  }
0x8c: {  	s17 =	sshll.u32 s0, $0xA;
	s2 =	sadd.s32 s3, s2  }
0x8d: {  	s2 =	sadd.s32 s2, s17  }
0x8e: {  	[smem:$0x3FBA] =	sst s2  }
0x8f: {  	_ = 	snop  }
0x90: {  	s18 =	sld [smem:$0x3FD0];
	(tm) =	ssettm $0x1  }
0x91: {  	s19 =	sld [smem:$0x3FFB];
	_ =	sdelay $0x3  }
0x92: {  	_ =	strace s19  }
0x93: {  	s2 =	sld [smem:$0x3FFC];
	_ =	sdelay $0x3  }
0x94: {  	_ =	strace s2  }
0x95: {  	s2 =	sld [smem:$0x3FFD];
	_ =	sdelay $0x3  }
0x96: {  	_ =	strace s2  }
0x97: {  	_ =	strace $0x8FFFFFFF  }
0x98: {  	s20 =	sld [smem:$0x3FDB];
	_ =	sdelay $0x1  }
0x99: {  	s4 =	simm.s32 $_scs_section_size  }
0x9a: {  	s5 =	simm.s32 $_size__tile_overlayer_lowered;
	s6 =	simm.s32 $_tile_overlayer_lowered  }
0x9b: {  	s7 =	simm.s32 $0x1BFF;
	s21 =	sshll.u32 s6, $0x1;
	s4 =	sadd.s32 s4, s20  }
0x9c: {  	s22 =	simm.s32 $0x0;
	s5 =	sshll.u32 s5, $0x1;
	s6 =	sadd.s32 s21, s4  }
0x9d: {  	[timem:s22], [sflag:s7] =	dma.local [hbm:s6], s5  }
0x9e: {  	_ =	swait.ge [sflag:s7], s5  }
0x9f: {  	s5 =	ssub.s32 $0x0, s5;
	[sflag:s7] =	ssyncset.done $0x0  }
0xa0: {  	[sflag:s7] =	ssyncadd.s32 s5;
	_ =	sdelay $0x1  }
0xa1: {  	s23 =	simm.s32 $0x1B8B  }
0xa2: {  	_ =	swait.ge [sflag:s23], $0x1  }
0xa3: {  	[sflag:s23] =	ssyncset.done $0x0  }
0xa4: {  	[sflag:s23] =	ssyncadd.s32 $0xFFFFFFFF  }
0xa5: {  	s5 =	sld [smem:$0x0]  }
0xa6: {  	s6 =	sand.u32 $0xFFFFFFFE, s1  }
0xa7: {  	p0 =	sne.s32 s1, s6  }
0xa8: {  	s6 =	sshll.u32 @p0 s6, $0xE  }
0xa9: {  	s6 =	sadd.s32 @p0 $0x11B8D, s6;
	s7 =	sshll.u32 @p0 s5, $0x11  }
0xaa: {  	s6 =	sor.u32 @p0 s7, s6  }
0xab: {  	[sflag:s6] =	ssyncadd.remote.s32 @p0 $0x1;
	_ =	sdelay $0x1  }
0xac: {  	s6 =	simm.s32 @p0 $0x1B8D  }
0xad: {  	_ =	swait.eq @p0 [sflag:s6], $0x1  }
0xae: {  	[sflag:s6] =	ssyncadd.s32 @p0 $0xFFFFFFFF  }
0xaf: {  	s7 =	sshll.u32 @!p0 s1, $0xE  }
0xb0: {  	s7 =	sor.u32 @!p0 $0x4000, s7;
	s6 =	simm.s32 @!p0 $0x1B8D  }
0xb1: {  	s8 =	sshll.u32 @!p0 s5, $0x11;
	s7 =	sadd.s32 @!p0 $0x11B8D, s7;
	_ =	swait.eq @!p0 [sflag:s6], $0x1  }
0xb2: {  	[sflag:s6] =	ssyncadd.s32 @!p0 $0xFFFFFFFF;
	s6 =	sor.u32 @!p0 s8, s7  }
0xb3: {  	s25 =	simm.s32 $0x1B8E;
	s24 =	sld [smem:$0x3FFE];
	[sflag:s6] =	ssyncadd.remote.s32 @!p0 $0x1  }
0xb4: {  	s26 =	simm.s32 $execute0_lowered;
	[smem:$0x3FD2] =	sst s25  }
0xb5: {  	s7 =	sshll.u32 s26, $0x1;
	_ =	strace $0x8000004F;
	[dreg:$0x1] =	wrdreg $0xFFFFFFFF  }
0xb6: {  	s28 =	simm.s32 $_size_execute0_lowered;
	s4 =	sadd.s32 s4, s7;
	[dreg:$0x0] =	wrdreg $0x0  }
0xb7: {  	s7 =	sshll.u32 s28, $0x1;
	[dreg:$0x2] =	wrdreg s4  }
0xb8: {  	[dreg:$0x3] =	wrdreg s7  }
0xb9: {  	[dreg:$0x4] =	wrdreg $0xC0  }
0xba: {  	_ =	task [dreg:s22], $0x5FFFF  }
0xbb: {  	[dreg:$0x1] =	wrdreg $0xFFFFFFFF  }
0xbc: {  	[dreg:$0x0] =	wrdreg $0x60  }
0xbd: {  	[dreg:$0x2] =	wrdreg s18  }
0xbe: {  	[dreg:$0x3] =	wrdreg s24  }
0xbf: {  	[dreg:$0x4] =	wrdreg s1  }
0xc0: {  	[dreg:$0x5] =	wrdreg s5  }
0xc1: {  	[dreg:$0x6] =	wrdreg $0x9  }
0xc2: {  	_ =	task.clear_ibuf [dreg:s22], $0x7FFFF;
	_ =	strace $0x9000004F  }
0xc3: {  	s29 =	simm.s32 $0x9;
	_ =	strace $0x80000051  }
0xc4: {  	_ =	swait.ge [sflag:s29], $0x1  }
0xc5: {  	[sflag:s29] =	ssyncadd.s32 $0xFFFFFFFF  }
0xc6: {  	_ =	strace $0x90000051  }
0xc7: {  	_ =	sfence  }
0xc8: {  	s30 =	sld [smem:$0x0];
	_ =	sdelay $0x2  }
0xc9: {  	s31 =	sshll.u32 s1, $0xD;
	s1 =	sshrl.u32 s1, $0x2  }
0xca: {  	s4 =	sand.u32 $0x4000, s31;
	s1 =	sadd.s32 s1, s30  }
0xcb: {  	s0 =	sor.u32 s4, s0;
	s1 =	sshll.u32 s1, $0x11  }
0xcc: {  	s0 =	sor.u32 s1, s0  }
0xcd: {  	s0 =	sadd.s32 $0x8F2B, s0  }
0xce: {  	[sflag:s0] =	ssyncadd.remote.s32 $0x1  }
0xcf: {  	_ =	sfence.sel $0xFFFF  }
0xd0: {  	[dreg:$0x0] =	wrdreg $0xFFFFFFFF;
	(pc) =	sbr.abs _section_cstart, $3  }
0xd1: {  	[dreg:$0x1] =	wrdreg $0xFFFFFFFF  }
0xd2: {  	_ =	task.clear_ibuf [dreg:s22], $0x2FFFF;
	_ =	strace $0x9FFFFFFF  }
0xd3: {  	(tm) =	ssettm $0x7FFFFFFF  }
tec
execute0_lowered:
.L_overlay_start_1:
0x0: {  	(tag) =	ssettag $0x1  }
0x1: {  	s1 =	rddreg [dreg:$0x0]  }
0x2: {  	s15 =	rddreg [dreg:$0x1]  }
0x3: {  	s2 =	rddreg [dreg:$0x2];
	_ =	strace $0x80000050;
	s0 =	simm.s32 $0x1  }
0x4: {  	v0 =	vimm.s32 $0x0;
	[sflag:s0] =	ssyncpa.u1 $0x0;
	s0 =	simm.s32 $0x108  }
0x5: {  	[tilespmem:s0+$0x70] =	vst v0  }
0x6: {  	[tilespmem:s0+$0x60] =	vst v0  }
0x7: {  	[tilespmem:s0+$0x50] =	vst v0  }
0x8: {  	[tilespmem:s0+$0x40] =	vst v0  }
0x9: {  	[tilespmem:s0+$0x30] =	vst v0  }
0xa: {  	s3 =	simm.s32 $0x40;
	[tilespmem:s0+$0x20] =	vst v0  }
0xb: {  	s6 =	sadd.s32 $0x2FA00, s15;
	s14 =	sadd.s32 $0x9400, s15;
	s5 =	sand.u32 $0x1, s2;
	[tilespmem:s0+$0x10] =	vst v0  }
.LBB2_1:
0xc: {  	s3 =	sadd.s32 $0x40, s3;
	[tilespmem:s0+$0x0] =	vst v0;
	s0 =	sadd.s32 $0x80, s0  }
0xd: {  	p0 =	slt.u32 s3, $0x3C40;
	[tilespmem:s0+$0x70] =	vst v0  }
0xe: {  	[tilespmem:s0+$0x60] =	vst v0  }
.Ltmp0:
0xf: {  	[tilespmem:s0+$0x50] =	vst v0;
	(pc) =	sbr.rel @p0 .LBB2_1-.Ltmp0, $4  }
0x10: {  	[tilespmem:s0+$0x40] =	vst v0  }
0x11: {  	[tilespmem:s0+$0x30] =	vst v0  }
0x12: {  	[tilespmem:s0+$0x20] =	vst v0  }
0x13: {  	[tilespmem:s0+$0x10] =	vst v0  }
0x14: {  	s9 =	stileid.u32  }
0x15: {  	s2 =	simm.s32 $0x1;
	p0 =	sne.s32 s9, $0x0;
	s3 =	smul.u32 $0x27, s9  }
0x16: {  	s2 =	simm.s32 @!p0 $0x0  }
0x17: {  	s2 =	sadd.s32 s2, s3  }
0x18: {  	p1 =	seq.s32 s9, $0x0;
	s7 =	smul.u32 $0xF0, s2;
	s2 =	simm.s32 $0x2580  }
0x19: {  	s2 =	simm.s32 @!p1 $0x2490  }
0x1a: {  	s2 =	sadd.s32 s2, s7  }
0x1b: {  	s8 =	smin.u32 s2, $0x249F0  }
0x1c: {  	s2 =	ssub.s32 s8, s7  }
0x1d: {  	p1 =	sgt.s32 s2, $0x0  }
0x1e: {  	s29 =	simm.s32 $0x2;
	s10 =	simm.s32 $0x9;
	s2 =	simm.s32 @!p1 $0x0  }
0x1f: {  	s4 =	simm.s32 $0xA;
	s11 =	simm.s32 $0xB;
	s28 =	smulhi.u32 $0x88888889, s2  }
0x20: {  	[dreg:$0x5] =	wrdreg s5;
	s31 =	smul.u32 $0x493E, s5;
	s12 =	simm.s32 $0x1  }
0x21: {  	s22 =	simm.s32 $0x0;
	s18 =	simm.s32 $0xC;
	s30 =	sshrl.u32 s28, $0x7  }
0x22: {  	s20 =	simm.s32 $0x0;
	s21 =	simm.s32 $0x0;
	s3 =	smul.u32 $0xF0, s30  }
.Ltmp1:
0x23: {  	[tilespmem:s0+$0x0] =	vst v0;
	v0 =	vimm.s32 $0xFFFFFFFF;
	[sflag:s29] =	ssyncpa.u1 $0x0;
	s16 =	sshll.u32 s9, $0x8;
	(pc) =	sbr.rel .LBB2_3-.Ltmp1, $4  }
0x24: {  	[tilespmem:$0xF208] =	vst v0;
	[sflag:s10] =	ssyncpa.u1 $0x0;
	p1 =	sne.s32 s2, s3;
	s2 =	simm.s32 $0x1  }
0x25: {  	s14 =	sadd.s32 s31, s14;
	[sflag:s4] =	ssyncpa.u1 $0x0;
	s2 =	simm.s32 @!p1 $0x0  }
0x26: {  	s15 =	sadd.s32 s31, s15;
	[sflag:s11] =	ssyncpa.u1 $0x0;
	s13 =	sadd.s32 s2, s30  }
0x27: {  	v0 =	vlaneseq.u32;
	s19 =	smov.u32 s7;
	p1 =	por $0x0, $0x0;
	s17 =	sadd.s32 $0x1, s13  }
.LBB2_18:
0x28: {  	s0 =	sshrl.u32 s31, $0x2  }
.LBB2_20:
0x29: {  	_ =	swait.ge [sflag:s18], s0  }
0x2a: {  	s31 =	ssub.s32 $0x0, s0;
	v1 =	vmov s24;
	vm0 =	veq.s32 v0, $0x0;
	[sflag:s18] =	ssyncset.done $0x0  }
0x2b: {  	vm15 =	veq.s32 v0, $0x2;
	v1 =	vsel vm0, s30, v1;
	[sflag:s18] =	ssyncadd.s32 s31  }
0x2c: {  	v1 =	vsel vm15, s22, v1;
	[sflag:s18] =	ssyncpa.u1 $0x1  }
0x2d: {  	[tilespmem:$0xF208] =	vst v1  }
.LBB2_21:
0x2e: {  	s0 =	sadd.s32 $0xF0, s19  }
0x2f: {  	s2 =	smov.u32 s7;
	p2 =	slt.s32 s0, s8  }
0x30: {  	s2 =	smov.u32 @p2 s0;
	p2 =	sne.s32 s21, s17  }
.Ltmp2:
0x31: {  	_ = 	snop;
	(pc) =	sbr.rel @!p2 .LBB2_22-.Ltmp2, $3  }
0x32: {  	_ =	sdelay $0x1  }
0x33: {  	s22 =	smov.u32 s20;
	s31 =	sadd.s32 $0x1, s21;
	s20 =	smov.u32 s19  }
0x34: {  	p1 =	por !p1, !p1;
	s21 =	smov.u32 s31;
	s19 =	smov.u32 s2  }
.LBB2_3:
0x35: {  	p2 =	sge.u32 s21, s13  }
0x36: {  	s0 =	smulhi.u32 @!p2 $0xAAAAAAAB, s21  }
0x37: {  	s2 =	smov.u32 s19;
	p3 =	sgt.s32 @!p2 s19, $0x24900  }
0x38: {  	s3 =	sshra.s32 @!p2 s19, $0x1F;
	p3 =	por !p3, p2;
	s0 =	sshrl.u32 @!p2 s0, $0x1  }
0x39: {  	s3 =	sand.u32 @!p2 s3, s19;
	s2 =	simm.s32 @p3 $0x24900;
	s0 =	smul.u32 @!p2 $0x3, s0  }
0x3a: {  	s2 =	ssub.s32 @!p2 s2, s3  }
0x3b: {  	s2 =	sadd.s32 @!p2 $0xFFFDB700, s2;
	s0 =	ssub.s32 @!p2 s21, s0  }
0x3c: {  	s3 =	sshll.u32 @!p2 s2, $0x2;
	p3 =	sgt.s32 @!p2 s2, $0xEF;
	s0 =	smul.u32 @!p2 $0x3C0, s0  }
0x3d: {  	s4 =	sand.u32 @!p2 $0x7, s19;
	s2 =	ssub.s32 @!p2 $0x3C0, s3;
	p3 =	por !p3, p2  }
0x3e: {  	s3 =	sshrl.u32 @!p2 s19, $0x3;
	s2 =	sshrl.u32 @!p2 s2, $0x2;
	s0 =	sshrl.u32 @!p2 s0, $0x2  }
0x3f: {  	s3 =	sadd.s32 @!p2 s3, s14;
	s2 =	simm.s32 @!p3 $0x0;
	s0 =	sadd.s32 @!p2 $0x10248, s0  }
0x40: {  	[tilespmem:s0], [sflag:$0xA] =	stream.linear.gather @!p2 [hbm4b:s3+s4], s2, $0x38;
	[tilespmem:$0x1F6F8] =	vst v63  }
0x41: {  	s0 =	sadd.s32 $0xFFFFFFFF, s21  }
0x42: {  	p2 =	sge.u32 s0, s13  }
0x43: {  	p3 =	sgt.s32 @!p2 s20, $0x24900  }
0x44: {  	s2 =	smov.u32 s20;
	s3 =	sshra.s32 @!p2 s20, $0x1F;
	p3 =	por !p3, p2  }
0x45: {  	s3 =	sand.u32 @!p2 s3, s20;
	s2 =	simm.s32 @p3 $0x24900  }
0x46: {  	s2 =	ssub.s32 @!p2 s2, s3  }
0x47: {  	s2 =	sadd.s32 @!p2 $0xFFFDB700, s2  }
0x48: {  	s4 =	smulhi.u32 @!p2 $0xAAAAAAAB, s0;
	s5 =	sand.u32 @!p2 $0x1, s0;
	s3 =	sshll.u32 @!p2 s2, $0x2  }
0x49: {  	s24 =	smul.u32 @!p2 $0x3C0, s5;
	p3 =	sgt.s32 @!p2 s2, $0xEF;
	s2 =	ssub.s32 @!p2 $0x3C0, s3  }
0x4a: {  	p3 =	por !p3, p2;
	s3 =	sshrl.u32 @!p2 s4, $0x1;
	s2 =	sshrl.u32 @!p2 s2, $0x2  }
0x4b: {  	s4 =	simm.s32 @!p2 $0xA;
	s3 =	smul.u32 @!p2 $0x3, s3;
	s2 =	simm.s32 @!p3 $0x0  }
0x4c: {  	s5 =	smul.u32 @!p2 $0x1E000, s5;
	_ =	swait.ge @!p2 [sflag:s4], s2;
	s23 =	ssub.s32 @!p2 $0x0, s2  }
0x4d: {  	s0 =	ssub.s32 @!p2 s0, s3;
	s3 =	sshrl.u32 @!p2 s20, $0x3;
	[sflag:s4] =	ssyncset.done @!p2 $0x0  }
0x4e: {  	s3 =	sadd.s32 @!p2 s3, s15;
	[sflag:s4] =	ssyncadd.s32 @!p2 s23;
	s4 =	sshrl.u32 @!p2 s24, $0x2  }
0x4f: {  	s0 =	smul.u32 @!p2 $0x3C0, s0;
	s23 =	sand.u32 @!p2 $0x7, s20;
	s4 =	sadd.s32 @!p2 $0x10518, s4  }
0x50: {  	[tilespmem:s4], [sflag:$0xB] =	stream.linear.gather @!p2 [hbm4b:s3+s23], s2, $0x38;
	[tilespmem:$0x1F6F8] =	vst v63  }
0x51: {  	s0 =	sshrl.u32 @!p2 s0, $0x2;
	s2 =	sshrl.u32 @!p2 s5, $0x2  }
0x52: {  	s0 =	sadd.s32 @!p2 $0x10248, s0;
	s3 =	simm.s32 @!p2 $0xF0;
	s2 =	sor.u32 @!p2 $0x106F8, s2  }
0x53: {  	[tilespmem:s2], [sflag:$0x9] =	stream.indirect.gather @!p2 [hbm4b:s6+s3], $0x80, s0, s3, $0xb8;
	[tilespmem:$0x1F6F8] =	vst v63  }
0x54: {  	p2 =	slt.u32 s21, $0x2  }
.Ltmp3:
0x55: {  	_ = 	snop;
	(pc) =	sbr.rel @p2 .LBB2_21-.Ltmp3, $1  }
0x56: {  	_ =	sdelay $0x3  }
0x57: {  	p2 =	sgt.s32 s22, $0x24900;
	s0 =	smov.u32 s22;
	s2 =	sshra.s32 s22, $0x1F  }
0x58: {  	s0 =	simm.s32 @!p2 $0x24900;
	s2 =	sand.u32 s2, s22  }
0x59: {  	s0 =	ssub.s32 s0, s2  }
0x5a: {  	s0 =	sadd.s32 $0xFFFDB700, s0  }
0x5b: {  	s29 =	sshll.u32 s0, $0x2  }
0x5c: {  	_ =	swait.ge [sflag:s10], $0x7800;
	s2 =	ssub.s32 $0x3C0, s29  }
0x5d: {  	[sflag:s10] =	ssyncset.done $0x0;
	p2 =	sgt.s32 s0, $0xEF;
	s0 =	sshrl.u32 s2, $0x2  }
0x5e: {  	[sflag:s10] =	ssyncadd.s32 $0xFFFF8800;
	s0 =	simm.s32 @p2 $0x0  }
0x5f: {  	_ =	swait.ge [sflag:s11], s0  }
0x60: {  	s0 =	ssub.s32 $0x0, s0;
	[sflag:s11] =	ssyncset.done $0x0  }
0x61: {  	[sflag:s11] =	ssyncadd.s32 s0  }
0x62: {  	v1 =	vld [tilespmem:$0xF208];
	_ =	sdelay $0x4  }
0x63: {  	(v2sf) =	vpush v1, $0x0  }
0x64: {  	(v2sf) =	vpush v1, $0x1  }
0x65: {  	(v2sf) =	vpush v1, $0x2;
	_ =	sdelay $0x3  }
0x66: {  	s0 =	sadd.s32 $0xF0, s22  }
0x67: {  	s2 =	ssub.s32 $0x493E0, s22;
	p2 =	slt.s32 s8, s0  }
0x68: {  	s0 =	smov.u32 @p2 s8;
	p2 =	sgt.s32 s2, $0x0  }
0x69: {  	s26 =	ssub.s32 s0, s22;
	s2 =	simm.s32 @!p2 $0x0  }
0x6a: {  	p2 =	slt.s32 s2, s26  }
0x6b: {  	s26 =	smov.u32 @p2 s2  }
0x6c: {  	s25 =	simm.s32 $0x1;
	p2 =	slt.s32 s26, $0x1  }
.Ltmp4:
0x6d: {  	s25 =	simm.s32 @!p1 $0x0;
	(pc) =	sbr.rel @p2 .LBB2_8-.Ltmp4, $4  }
0x6e: {  	s31 =	smul.u32 $0x3C0, s25  }
0x6f: {  	s28 =	spop (v2sf)  }
0x70: {  	s0 =	sshrl.u32 s31, $0x2;
	s30 =	spop (v2sf)  }
0x71: {  	s23 =	sadd.s32 $0x10518, s0;
	s22 =	spop (v2sf)  }
0x72: {  	s0 =	smin.u32 s26, $0x10  }
0x73: {  	v1 =	vmov s0  }
0x74: {  	p3 =	sgt.s32 s26, $0x10;
	vm1 =	vgt.u32 v1, v0  }
.Ltmp5:
0x75: {  	_ = 	snop;
	(pc) =	sbr.rel @!p3 .LBB2_7-.Ltmp5, $2  }
0x76: {  	_ =	sdelay $0x2  }
0x77: {  	s4 =	simm.s32 $0x10;
	s24 =	sadd.s32 $0xFFFFFFF0, s26;
	s0 =	smov.u32 s23;
	vm0 =	vmmov vm1  }
.LBB2_6:
0x78: {  	s2 =	smin.u32 s24, $0x10;
	s4 =	sadd.s32 $0x10, s4;
	v1 =	vld.msk [tilespmem:s0+$0x0 ss:$0x1], vm1  }
0x79: {  	v2 =	vmov s2;
	p3 =	slt.s32 s4, s26  }
0x7a: {  	vm1 =	vgt.u32 v2, v0  }
.Ltmp6:
0x7b: {  	(pc) =	sbr.rel @p3 .LBB2_6-.Ltmp6, $3  }
0x7c: {  	_ =	sdelay $0x1  }
0x7d: {  	v1 =	vshll.u32 v1, $0x4  }
0x7e: {  	s24 =	sadd.s32 $0xFFFFFFF0, s24;
	[tilespmem:s0+$0x0] =	vst.msk vm0, v1;
	s0 =	sadd.s32 $0x10, s0;
	vm0 =	vmmov vm1  }
.LBB2_7:
0x7f: {  	_ =	sdelay $0x4  }
0x80: {  	v1 =	vld.msk [tilespmem:s0+$0x0 ss:$0x1], vm1;
	_ =	sdelay $0x4  }
0x81: {  	v1 =	vshll.u32 v1, $0x4  }
0x82: {  	[tilespmem:s0+$0x0] =	vst.msk vm0, v1  }
.LBB2_8:
0x83: {  	s0 =	sand.u32 $0x1, s21  }
0x84: {  	s0 =	smul.u32 $0xF0, s0  }
0x85: {  	p3 =	sne.s32 s30, $0xFFFFFFFF  }
0x86: {  	v1 =	vld.msk @!p3 [tilespmem:s0+$0x10518], $0x1;
	_ =	sdelay $0x4  }
0x87: {  	(v2sf) =	vpush @!p3 v1, $0x0;
	_ =	sdelay $0xc  }
.Ltmp7:
0x88: {  	_ = 	snop;
	(pc) =	sbr.rel @p2 .LBB2_19-.Ltmp7, $4  }
0x89: {  	_ = 	snop  }
0x8a: {  	s29 =	spop @!p3 (v2sf)  }
0x8b: {  	s22 =	simm.s32 @!p3 $0x0;
	s24 =	smov.u32 s29  }
0x8c: {  	[sflag:s18] =	ssyncpa.u1 $0x0;
	s29 =	smov.u32 @p3 s28;
	s24 =	smov.u32 @p3 s30  }
0x8d: {  	v1 =	vld.msk [tilespmem:s23+$0x0], $0x1;
	_ =	sdelay $0x4  }
0x8e: {  	(v2sf) =	vpush v1, $0x0;
	_ =	sdelay $0xe  }
0x8f: {  	s2 =	smul.u32 $0x1E000, s25;
	s0 =	spop (v2sf)  }
0x90: {  	s26 =	ssub.s32 $0x0, s26;
	p2 =	seq.s32 s29, s0  }
0x91: {  	s30 =	sadd.s32 $0x1, s26;
	s2 =	sshrl.u32 s2, $0x2;
	p3 =	sgt.s32 @!p2 s29, $0x0  }
0x92: {  	s25 =	sor.u32 $0x10738, s2;
	s2 =	smov.u32 s29;
	p3 =	por !p3, p2  }
0x93: {  	s2 =	simm.s32 @p3 $0x0;
	p3 =	seq.s32 s30, $0x0  }
.Ltmp8:
0x94: {  	_ = 	snop;
	(pc) =	sbr.rel @p3 .LBB2_11-.Ltmp8, $4  }
0x95: {  	_ = 	snop  }
0x96: {  	s28 =	simm.s32 $0x0;
	s31 =	sadd.s32 $0x1, s23;
	s2 =	smin.u32 @!p2 s2, $0x4E2070  }
0x97: {  	s4 =	simm.s32 @!p2 $0x1;
	s5 =	simm.s32 @!p2 $0x7988;
	s3 =	sand.u32 @!p2 $0x7FFFF8, s2  }
0x98: {  	s4 =	smov.u32 @p2 s28;
	s2 =	sand.u32 @!p2 $0x7, s2;
	s3 =	sadd.s32 @!p2 s1, s3  }
.LBB2_10:
0x99: {  	s9 =	smov.u32 s4  }
0x9a: {  	[tilespmem:s5], [sflag:$0x2] =	stream.linear.gather @!p2 [hbm4b:s3+s2], $0x80, $0x38;
	[tilespmem:$0x1F6F8] =	vst v63  }
0x9b: {  	s30 =	sadd.s32 $0x1, s30;
	s2 =	smov.u32 s0;
	v1 =	vld.msk [tilespmem:s31+$0x0], $0x1  }
0x9c: {  	p3 =	seq.s32 s30, $0x0;
	_ =	sdelay $0x3  }
0x9d: {  	(v2sf) =	vpush v1, $0x0;
	_ =	sdelay $0xe  }
0x9e: {  	s0 =	spop (v2sf)  }
0x9f: {  	p2 =	seq.s32 s2, s0  }
0xa0: {  	p4 =	sgt.s32 @!p2 s2, $0x0;
	s3 =	sshll.u32 @!p2 s4, $0x9;
	s4 =	sadd.s32 @!p2 $0x1, s4  }
.Ltmp9:
0xa1: {  	p4 =	por !p4, p2;
	s3 =	sshra.s32 @!p2 s3, $0x2;
	(pc) =	sbr.rel @!p3 .LBB2_10-.Ltmp9, $4  }
0xa2: {  	s4 =	smov.u32 @p2 s9;
	s2 =	simm.s32 @p4 $0x0;
	s5 =	sadd.s32 @!p2 $0x7988, s3  }
0xa3: {  	s2 =	smin.u32 @!p2 s2, $0x4E2070  }
0xa4: {  	s3 =	sand.u32 @!p2 $0x7FFFF8, s2;
	s2 =	sand.u32 @!p2 $0x7, s2  }
0xa5: {  	s31 =	sadd.s32 $0x1, s31;
	s3 =	sadd.s32 @!p2 s1, s3  }
.LBB2_11:
0xa6: {  	[tilespmem:s5], [sflag:$0x2] =	stream.linear.gather @!p2 [hbm4b:s3+s2], $0x80, $0x38;
	[tilespmem:$0x1F6F8] =	vst v63  }
.Ltmp10:
0xa7: {  	s0 =	sshll.u32 s4, $0x7;
	(pc) =	sbr.rel .LBB2_12-.Ltmp10, $4  }
0xa8: {  	s30 =	simm.s32 $0x2;
	s0 =	sand.u32 $0x3FFFFF80, s0  }
0xa9: {  	_ =	swait.ge [sflag:s30], s0  }
0xaa: {  	s0 =	ssub.s32 $0x0, s0;
	[sflag:s30] =	ssyncset.done $0x0  }
0xab: {  	s31 =	simm.s32 $0x0;
	[sflag:s30] =	ssyncadd.s32 s0  }
.LBB2_13:
0xac: {  	v1 =	vld [tilespmem:s25+$0xFFFFFFC0];
	_ =	sdelay $0x3  }
0xad: {  	s0 =	sshra.s32 s0, $0x2  }
0xae: {  	[tilespmem:s0+$0x108] =	vst.add.f32.msk $0xffff, v1  }
0xaf: {  	v1 =	vld [tilespmem:s25+$0xFFFFFFD0];
	_ =	sdelay $0x4  }
0xb0: {  	[tilespmem:s0+$0x118] =	vst.add.f32.msk $0xffff, v1  }
0xb1: {  	v1 =	vld [tilespmem:s25+$0xFFFFFFE0];
	_ =	sdelay $0x4  }
0xb2: {  	[tilespmem:s0+$0x128] =	vst.add.f32.msk $0xffff, v1  }
0xb3: {  	v1 =	vld [tilespmem:s25+$0xFFFFFFF0];
	_ =	sdelay $0x4  }
0xb4: {  	[tilespmem:s0+$0x138] =	vst.add.f32.msk $0xffff, v1  }
0xb5: {  	v1 =	vld [tilespmem:s25+$0x0];
	_ =	sdelay $0x4  }
0xb6: {  	[tilespmem:s0+$0x148] =	vst.add.f32.msk $0xffff, v1  }
0xb7: {  	v1 =	vld [tilespmem:s25+$0x10];
	_ =	sdelay $0x4  }
0xb8: {  	[tilespmem:s0+$0x158] =	vst.add.f32.msk $0xffff, v1  }
0xb9: {  	v1 =	vld [tilespmem:s25+$0x20];
	_ =	sdelay $0x4  }
0xba: {  	[tilespmem:s0+$0x168] =	vst.add.f32.msk $0xffff, v1  }
0xbb: {  	v1 =	vld [tilespmem:s25+$0x30];
	_ =	sdelay $0x4  }
0xbc: {  	[tilespmem:s0+$0x178] =	vst.add.f32.msk $0xffff, v1  }
.LBB2_17:
0xbd: {  	s26 =	sadd.s32 $0x1, s26  }
0xbe: {  	p2 =	seq.s32 s26, $0x0  }
.Ltmp11:
0xbf: {  	_ = 	snop;
	(pc) =	sbr.rel @p2 .LBB2_18-.Ltmp11, $2  }
0xc0: {  	_ =	sdelay $0x2  }
0xc1: {  	s23 =	sadd.s32 $0x1, s23;
	s25 =	sadd.s32 $0x80, s25;
	s29 =	smov.u32 s30  }
.LBB2_12:
0xc2: {  	v1 =	vld.msk [tilespmem:s23+$0x0], $0x1;
	_ =	sdelay $0x4  }
0xc3: {  	(v2sf) =	vpush v1, $0x0;
	_ =	sdelay $0xe  }
0xc4: {  	s30 =	spop (v2sf)  }
0xc5: {  	p2 =	sne.s32 s29, s30  }
.Ltmp12:
0xc6: {  	_ = 	snop;
	(pc) =	sbr.rel @!p2 .LBB2_13-.Ltmp12, $2  }
0xc7: {  	_ =	sdelay $0x2  }
0xc8: {  	s0 =	sshll.u32 s22, $0x9  }
0xc9: {  	p2 =	seq.s32 s29, s24  }
.Ltmp13:
0xca: {  	_ = 	snop;
	(pc) =	sbr.rel @!p2 .LBB2_15-.Ltmp13, $1  }
0xcb: {  	_ =	sdelay $0x3  }
0xcc: {  	s0 =	sshra.s32 s0, $0x2  }
.Ltmp14:
0xcd: {  	s0 =	sadd.s32 $0x108, s0;
	(pc) =	sbr.rel .LBB2_16-.Ltmp14, $4  }
0xce: {  	[spmem:s16] =	stream.linear.scatter [tilespmem:s0], [sflag:$0x1], $0x80, $0x38;
	[tilespmem:$0x1F6F8] =	vst v63  }
0xcf: {  	_ =	swait.ge [sflag:s12], $0x80  }
0xd0: {  	[sflag:s12] =	ssyncset.done $0x0  }
0xd1: {  	[sflag:s12] =	ssyncadd.s32 $0xFFFFFF80  }
.LBB2_15:
0xd2: {  	s2 =	sshll.u32 s28, $0x9  }
0xd3: {  	s2 =	sshra.s32 s2, $0x2  }
0xd4: {  	v1 =	vld [tilespmem:s2+$0x7988];
	_ =	sdelay $0x3  }
0xd5: {  	s0 =	sshra.s32 s0, $0x2  }
0xd6: {  	[tilespmem:s0+$0x108] =	vst.add.f32.msk $0xffff, v1  }
0xd7: {  	v1 =	vld [tilespmem:s2+$0x7998];
	_ =	sdelay $0x4  }
0xd8: {  	[tilespmem:s0+$0x118] =	vst.add.f32.msk $0xffff, v1  }
0xd9: {  	v1 =	vld [tilespmem:s2+$0x79A8];
	_ =	sdelay $0x4  }
0xda: {  	[tilespmem:s0+$0x128] =	vst.add.f32.msk $0xffff, v1  }
0xdb: {  	v1 =	vld [tilespmem:s2+$0x79B8];
	_ =	sdelay $0x4  }
0xdc: {  	[tilespmem:s0+$0x138] =	vst.add.f32.msk $0xffff, v1  }
0xdd: {  	v1 =	vld [tilespmem:s2+$0x79C8];
	_ =	sdelay $0x4  }
0xde: {  	[tilespmem:s0+$0x148] =	vst.add.f32.msk $0xffff, v1  }
0xdf: {  	v1 =	vld [tilespmem:s2+$0x79D8];
	_ =	sdelay $0x4  }
0xe0: {  	[tilespmem:s0+$0x158] =	vst.add.f32.msk $0xffff, v1  }
0xe1: {  	v1 =	vld [tilespmem:s2+$0x79E8];
	_ =	sdelay $0x4  }
0xe2: {  	[tilespmem:s0+$0x168] =	vst.add.f32.msk $0xffff, v1  }
0xe3: {  	v1 =	vld [tilespmem:s2+$0x79F8];
	_ =	sdelay $0x2  }
0xe4: {  	p2 =	sgt.u32 s29, $0x4E2070  }
0xe5: {  	s2 =	sand.u32 @!p2 $0x7FFFF8, s29  }
0xe6: {  	s3 =	sadd.s32 $0x108, s0;
	[tilespmem:s0+$0x178] =	vst.add.f32.msk $0xffff, v1;
	s0 =	sadd.s32 @!p2 s1, s2;
	s2 =	sand.u32 @!p2 $0x7, s29  }
0xe7: {  	[hbm4b:s0+s2] =	stream.linear.scatter @!p2 [tilespmem:s3], [sflag:$0xC], $0x80, $0x38;
	[tilespmem:$0x1F6F8] =	vst v63  }
0xe8: {  	s0 =	simm.s32 $0x0  }
0xe9: {  	s0 =	simm.s32 @!p2 $0x200  }
0xea: {  	s31 =	sadd.s32 s0, s31  }
.LBB2_16:
0xeb: {  	s0 =	sadd.s32 $0x1, s22  }
0xec: {  	s2 =	smulhi.u32 $0x88888889, s0;
	_ =	sdelay $0x1  }
0xed: {  	v1 =	vld [tilespmem:s25+$0xFFFFFFC0];
	s2 =	sshrl.u32 s2, $0x7  }
0xee: {  	s2 =	smul.u32 $0xF0, s2;
	_ =	sdelay $0x1  }
0xef: {  	s22 =	ssub.s32 s0, s2  }
0xf0: {  	s0 =	sshll.u32 s22, $0x7  }
0xf1: {  	[tilespmem:s0+$0x108] =	vst v1  }
0xf2: {  	v1 =	vld [tilespmem:s25+$0xFFFFFFD0];
	_ =	sdelay $0x4  }
0xf3: {  	[tilespmem:s0+$0x118] =	vst v1  }
0xf4: {  	v1 =	vld [tilespmem:s25+$0xFFFFFFE0];
	_ =	sdelay $0x4  }
0xf5: {  	[tilespmem:s0+$0x128] =	vst v1  }
0xf6: {  	v1 =	vld [tilespmem:s25+$0xFFFFFFF0];
	_ =	sdelay $0x4  }
0xf7: {  	[tilespmem:s0+$0x138] =	vst v1  }
0xf8: {  	v1 =	vld [tilespmem:s25+$0x0];
	_ =	sdelay $0x4  }
0xf9: {  	[tilespmem:s0+$0x148] =	vst v1  }
0xfa: {  	v1 =	vld [tilespmem:s25+$0x10];
	_ =	sdelay $0x4  }
0xfb: {  	[tilespmem:s0+$0x158] =	vst v1  }
0xfc: {  	v1 =	vld [tilespmem:s25+$0x20];
	_ =	sdelay $0x4  }
0xfd: {  	[tilespmem:s0+$0x168] =	vst v1  }
0xfe: {  	v1 =	vld [tilespmem:s25+$0x30]  }
.Ltmp15:
0xff: {  	_ = 	snop;
	(pc) =	sbr.rel .LBB2_17-.Ltmp15, $2  }
0x100: {  	_ =	sdelay $0x2  }
0x101: {  	s28 =	sadd.s32 $0x1, s28;
	[tilespmem:s0+$0x178] =	vst v1  }
.LBB2_19:
.Ltmp16:
0x102: {  	(pc) =	sbr.rel .LBB2_20-.Ltmp16, $4  }
0x103: {  	_ = 	snop  }
0x104: {  	s0 =	simm.s32 $0x2  }
0x105: {  	_ =	swait.ge [sflag:s0], $0x0  }
0x106: {  	s30 =	smov.u32 s29;
	[sflag:s0] =	ssyncset.done $0x0;
	s0 =	simm.s32 $0x0  }
.LBB2_22:
0x107: {  	_ =	sfence.sel $0x180000  }
0x108: {  	s0 =	simm.s32 $0x9;
	[bflag:$0x0] =	sbarrier.arrive $0xFFFF  }
0x109: {  	s24 =	simm.s32 $0xA;
	[sflag:s0] =	ssyncpa.u1 $0x1  }
0x10a: {  	s25 =	simm.s32 $0xB;
	[sflag:s24] =	ssyncpa.u1 $0x1  }
0x10b: {  	s26 =	simm.s32 $0x2;
	[sflag:s25] =	ssyncpa.u1 $0x1  }
0x10c: {  	[sflag:s26] =	ssyncpa.u1 $0x1  }
0x10d: {  	v0 =	vld [tilespmem:$0xF208];
	_ =	sdelay $0x4  }
0x10e: {  	(v2sf) =	vpush v0, $0x0  }
0x10f: {  	(v2sf) =	vpush v0, $0x1;
	_ =	sdelay $0x1  }
0x110: {  	(v2sf) =	vpush v0, $0x2;
	_ =	sdelay $0xb  }
0x111: {  	s0 =	spop (v2sf)  }
0x112: {  	s2 =	spop (v2sf)  }
0x113: {  	s3 =	smov.u32 s0;
	p1 =	sne.s32 s0, s2  }
0x114: {  	s4 =	spop (v2sf);
	s3 =	simm.s32 @!p1 $0xFFFFFFFF  }
0x115: {  	v2 =	vimm.s32 $0x1;
	v3 =	vlaneseq.u32;
	p1 =	seq.s32 s4, $0xFFFFFFFF;
	v1 =	vmov s3  }
0x116: {  	s16 =	stileid.u32;
	v0 =	vperm.xlane v0, v2;
	p2 =	sne.s32 @!p1 s0, s2;
	v1 =	vperm.xlane v1, v3  }
0x117: {  	vm0 =	vcmask $0x3F04;
	s6 =	simm.s32 $0xF208;
	s0 =	simm.s32 @!p1 $0x1;
	p2 =	por !p2, p1  }
0x118: {  	s3 =	sshll.u32 s16, $0x1;
	s2 =	sshll.u32 @!p1 s4, $0x9;
	s0 =	simm.s32 @p2 $0x0;
	v0 =	vsel vm0, v1, v0  }
0x119: {  	s5 =	sor.u32 $0x1000, s3;
	s2 =	sshra.s32 @!p1 s2, $0x2;
	s0 =	sor.u32 @!p1 s0, s3;
	[tilespmem:$0xF208] =	vst v0  }
0x11a: {  	[spmem:s5] =	stream.linear.scatter [tilespmem:s6], [sflag:$0x1], $0x2, $0x38;
	[tilespmem:$0x1F6F8] =	vst v63  }
0x11b: {  	s2 =	sadd.s32 @!p1 $0x108, s2;
	s0 =	sshll.u32 @!p1 s0, $0x7  }
0x11c: {  	[spmem:s0] =	stream.linear.scatter @!p1 [tilespmem:s2], [sflag:$0x1], $0x80, $0x38;
	[tilespmem:$0x1F6F8] =	vst v63  }
0x11d: {  	s0 =	simm.s32 @!p1 $0x82  }
0x11e: {  	s28 =	simm.s32 $0x1;
	s0 =	simm.s32 @p1 $0x2  }
0x11f: {  	_ =	swait.ge [sflag:s28], s0  }
0x120: {  	s0 =	ssub.s32 $0x0, s0;
	[sflag:s28] =	ssyncset.done $0x0  }
0x121: {  	[sflag:s28] =	ssyncadd.s32 s0  }
.Ltmp17:
0x122: {  	_ =	sfence.stream.spmem;
	(pc) =	sbr.rel @p0 .LBB2_39-.Ltmp17, $4  }
0x123: {  	s29 =	simm.s32 $0x3;
	[bflag:$0x0] =	sbarrier.arrive $0xFFFF  }
0x124: {  	s30 =	simm.s32 $0x4;
	[sflag:s29] =	ssyncpa.u1 $0x1  }
0x125: {  	s31 =	simm.s32 $0x3C;
	[sflag:s30] =	ssyncpa.u1 $0x1  }
0x126: {  	s15 =	rddreg [dreg:$0x5];
	[sflag:s31] =	ssyncpa.u1 $0x1  }
0x127: {  	_ =	sfence.stream.spmem;
	s0 =	simm.s32 $0x5  }
0x128: {  	s2 =	simm.s32 $0x1000;
	s3 =	simm.s32 $0xF218;
	[sflag:s0] =	ssyncpa.u1 $0x0  }
0x129: {  	[tilespmem:s3], [sflag:$0x5] =	stream.linear.gather [spmem:s2], $0x20, $0x38;
	[tilespmem:$0x1F6F8] =	vst v63  }
0x12a: {  	s26 =	simm.s32 $0x0;
	s28 =	simm.s32 $0xF238  }
0x12b: {  	[tilespmem:s28], [sflag:$0x5] =	stream.linear.gather [spmem:s26], $0x1000, $0x38;
	[tilespmem:$0x1F6F8] =	vst v63  }
0x12c: {  	_ =	swait.ge [sflag:s0], $0x1020  }
0x12d: {  	[sflag:s0] =	ssyncset.done $0x0  }
0x12e: {  	s29 =	simm.s32 $0x0;
	[sflag:s0] =	ssyncadd.s32 $0xFFFFEFE0  }
0x12f: {  	v0 =	vld.msk [tilespmem:s29+$0xF218], $0x1;
	_ =	sdelay $0x1  }
0x130: {  	s30 =	simm.s32 $0x1  }
0x131: {  	v1 =	vld.msk [tilespmem:s30+$0xF218], $0x1;
	_ =	sdelay $0x1  }
0x132: {  	(v2sf) =	vpush v0, $0x0;
	_ =	sdelay $0x2  }
0x133: {  	(v2sf) =	vpush v1, $0x0;
	_ =	sdelay $0x2  }
0x134: {  	s31 =	simm.s32 $0x2  }
0x135: {  	v0 =	vld.msk [tilespmem:s31+$0xF218], $0x1;
	_ =	sdelay $0x2  }
0x136: {  	s4 =	simm.s32 $0xFFFFFFFF;
	s5 =	simm.s32 $0xFFFFFFFF;
	s0 =	simm.s32 $0xC  }
.LBB2_24:
0x137: {  	s2 =	smov.u32 s5;
	s3 =	smov.u32 s4  }
0x138: {  	s4 =	sshra.s32 s0, $0x2;
	p1 =	sne.s32 s0, $0x7C;
	s0 =	sadd.s32 $0x4, s0;
	(v2sf) =	vpush v0, $0x0  }
0x139: {  	v0 =	vld.msk [tilespmem:s4+$0xF218], $0x1  }
.Ltmp18:
0x13a: {  	(pc) =	sbr.rel @p1 .LBB2_24-.Ltmp18, $4  }
0x13b: {  	s5 =	spop (v2sf)  }
0x13c: {  	p2 =	sne.s32 s3, $0xFFFFFFFF;
	s4 =	smov.u32 s5  }
0x13d: {  	p3 =	seq.s32 s5, $0xFFFFFFFF;
	s4 =	smov.u32 @p2 s3  }
0x13e: {  	s5 =	smov.u32 @p3 s2;
	s4 =	smov.u32 @p3 s3  }
0x13f: {  	(v2sf) =	vpush v0, $0x0;
	_ =	sdelay $0x8  }
0x140: {  	s0 =	spop (v2sf)  }
0x141: {  	p1 =	sne.s32 s4, $0xFFFFFFFF;
	s2 =	smov.u32 s0  }
0x142: {  	s9 =	simm.s32 $0x6;
	p2 =	seq.s32 s0, $0xFFFFFFFF;
	s2 =	smov.u32 @p1 s4  }
0x143: {  	s6 =	simm.s32 $0x0;
	s2 =	smov.u32 @p2 s4;
	s3 =	spop (v2sf)  }
0x144: {  	s0 =	smov.u32 @p2 s5;
	p1 =	sne.s32 s2, $0xFFFFFFFF;
	s4 =	smov.u32 s3  }
.Ltmp19:
0x145: {  	p2 =	seq.s32 s3, $0xFFFFFFFF;
	s4 =	smov.u32 @p1 s2;
	(pc) =	sbr.rel .LBB2_26-.Ltmp19, $4  }
0x146: {  	s10 =	simm.s32 $0xF188;
	s4 =	smov.u32 @p2 s2;
	s7 =	spop (v2sf)  }
0x147: {  	s11 =	simm.s32 $0x0;
	p1 =	sne.s32 s4, $0xFFFFFFFF;
	s8 =	smov.u32 s7  }
0x148: {  	s3 =	smov.u32 @p2 s0;
	p2 =	seq.s32 s7, $0xFFFFFFFF;
	s8 =	smov.u32 @p1 s4  }
0x149: {  	[sflag:s9] =	ssyncpa.u1 $0x0;
	s7 =	smov.u32 @p2 s3;
	s8 =	smov.u32 @p2 s4  }
.LBB2_32:
0x14a: {  	p1 =	sgt.u32 s12, $0x4E2070  }
0x14b: {  	p2 =	seq.s32 @!p1 s12, s8  }
0x14c: {  	p1 =	por p1, p2  }
0x14d: {  	p2 =	sne.s32 @!p1 s12, s7  }
0x14e: {  	p1 =	por p1, !p2  }
0x14f: {  	s0 =	sshll.u32 @p1 s11, $0x9  }
0x150: {  	s0 =	sand.u32 @!p1 $0x7FFFF8, s12  }
0x151: {  	s2 =	sand.u32 @!p1 $0x7, s12;
	s0 =	sadd.s32 @!p1 s1, s0  }
0x152: {  	[tilespmem:s10], [sflag:$0x6] =	stream.linear.gather @!p1 [hbm4b:s0+s2], $0x80, $0x38;
	[tilespmem:$0x1F6F8] =	vst v63  }
0x153: {  	_ =	swait.ge @!p1 [sflag:s9], $0x80  }
0x154: {  	[sflag:s9] =	ssyncset.done @!p1 $0x0  }
0x155: {  	[sflag:s9] =	ssyncadd.s32 @!p1 $0xFFFFFF80  }
0x156: {  	v1 =	vld @!p1 [tilespmem:$0xF188];
	_ =	sdelay $0x2  }
0x157: {  	s0 =	sshll.u32 @!p1 s11, $0x9  }
0x158: {  	s2 =	sshrl.u32 @!p1 s0, $0x2  }
0x159: {  	[tilespmem:s2+$0xF238] =	vst.add.f32.msk @!p1 $0xffff, v1  }
0x15a: {  	v1 =	vld @!p1 [tilespmem:$0xF198];
	_ =	sdelay $0x4  }
0x15b: {  	[tilespmem:s2+$0xF248] =	vst.add.f32.msk @!p1 $0xffff, v1  }
0x15c: {  	v1 =	vld @!p1 [tilespmem:$0xF1A8];
	_ =	sdelay $0x4  }
0x15d: {  	[tilespmem:s2+$0xF258] =	vst.add.f32.msk @!p1 $0xffff, v1  }
0x15e: {  	v1 =	vld @!p1 [tilespmem:$0xF1B8];
	_ =	sdelay $0x4  }
0x15f: {  	[tilespmem:s2+$0xF268] =	vst.add.f32.msk @!p1 $0xffff, v1  }
0x160: {  	v1 =	vld @!p1 [tilespmem:$0xF1C8];
	_ =	sdelay $0x4  }
0x161: {  	[tilespmem:s2+$0xF278] =	vst.add.f32.msk @!p1 $0xffff, v1  }
0x162: {  	v1 =	vld @!p1 [tilespmem:$0xF1D8];
	_ =	sdelay $0x4  }
0x163: {  	[tilespmem:s2+$0xF288] =	vst.add.f32.msk @!p1 $0xffff, v1  }
0x164: {  	v1 =	vld @!p1 [tilespmem:$0xF1E8];
	_ =	sdelay $0x4  }
0x165: {  	[tilespmem:s2+$0xF298] =	vst.add.f32.msk @!p1 $0xffff, v1  }
0x166: {  	v1 =	vld @!p1 [tilespmem:$0xF1F8];
	_ =	sdelay $0x4  }
0x167: {  	[tilespmem:s2+$0xF2A8] =	vst.add.f32.msk @!p1 $0xffff, v1  }
0x168: {  	s0 =	sshrl.u32 s0, $0x2;
	[tilespmem:s6+$0xF218] =	vst.msk $0x1, v0  }
0x169: {  	v0 =	vld [tilespmem:s0+$0xF238];
	_ =	sdelay $0x2  }
0x16a: {  	s31 =	sshll.u32 s6, $0x9  }
0x16b: {  	s2 =	sshra.s32 s31, $0x2  }
0x16c: {  	[tilespmem:s2+$0xF238] =	vst v0  }
0x16d: {  	v0 =	vld [tilespmem:s0+$0xF248];
	_ =	sdelay $0x4  }
0x16e: {  	[tilespmem:s2+$0xF248] =	vst v0  }
0x16f: {  	v0 =	vld [tilespmem:s0+$0xF258];
	_ =	sdelay $0x4  }
0x170: {  	[tilespmem:s2+$0xF258] =	vst v0  }
0x171: {  	v0 =	vld [tilespmem:s0+$0xF268];
	_ =	sdelay $0x4  }
0x172: {  	[tilespmem:s2+$0xF268] =	vst v0  }
0x173: {  	v0 =	vld [tilespmem:s0+$0xF278];
	_ =	sdelay $0x4  }
0x174: {  	[tilespmem:s2+$0xF278] =	vst v0  }
0x175: {  	v0 =	vld [tilespmem:s0+$0xF288];
	_ =	sdelay $0x4  }
0x176: {  	[tilespmem:s2+$0xF288] =	vst v0  }
0x177: {  	v0 =	vld [tilespmem:s0+$0xF298];
	_ =	sdelay $0x4  }
0x178: {  	[tilespmem:s2+$0xF298] =	vst v0  }
0x179: {  	v0 =	vld [tilespmem:s0+$0xF2A8];
	_ =	sdelay $0x4  }
0x17a: {  	s6 =	sadd.s32 $0x1, s6;
	[tilespmem:s2+$0xF2A8] =	vst v0  }
.LBB2_33:
0x17b: {  	s11 =	sadd.s32 $0x1, s11  }
0x17c: {  	p1 =	sne.s32 s11, $0x20  }
.Ltmp20:
0x17d: {  	_ = 	snop;
	(pc) =	sbr.rel @!p1 .LBB2_34-.Ltmp20, $1  }
0x17e: {  	_ =	sdelay $0x3  }
.LBB2_26:
0x17f: {  	v0 =	vld.msk [tilespmem:s11+$0xF218], $0x1;
	_ =	sdelay $0x4  }
0x180: {  	(v2sf) =	vpush v0, $0x0;
	_ =	sdelay $0xe  }
0x181: {  	s12 =	spop (v2sf)  }
0x182: {  	p1 =	seq.s32 s12, $0xFFFFFFFF  }
.Ltmp21:
0x183: {  	_ = 	snop;
	(pc) =	sbr.rel @p1 .LBB2_33-.Ltmp21, $1  }
0x184: {  	_ =	sdelay $0x3  }
0x185: {  	p1 =	slt.s32 s6, $0x1  }
.Ltmp22:
0x186: {  	_ = 	snop;
	(pc) =	sbr.rel @p1 .LBB2_32-.Ltmp22, $1  }
0x187: {  	_ =	sdelay $0x3  }
0x188: {  	s13 =	simm.s32 $0xF218;
	p1 =	por $0x0, $0x0  }
0x189: {  	v1 =	vld.msk @!p1 [tilespmem:s13+$0x0], $0x1;
	_ =	sdelay $0x4  }
0x18a: {  	(v2sf) =	vpush @!p1 v1, $0x0;
	_ =	sdelay $0xd  }
0x18b: {  	p3 =	sne.s32 s6, $0x1  }
.Ltmp23:
0x18c: {  	s0 =	spop @!p1 (v2sf);
	(pc) =	sbr.rel @!p3 .LBB2_30-.Ltmp23, $4  }
0x18d: {  	p2 =	seq.s32 @!p1 s12, s0  }
0x18e: {  	s14 =	simm.s32 $0x0;
	p2 =	por !p2, p1  }
0x18f: {  	s2 =	simm.s32 $0xFFFFFFFF;
	s14 =	simm.s32 @p2 $0xFFFFFFFF  }
0x190: {  	s0 =	simm.s32 $0x1;
	s14 =	smov.u32 @p1 s2  }
.LBB2_29:
0x191: {  	s2 =	smov.u32 s14;
	p1 =	sne.s32 s14, $0xFFFFFFFF  }
0x192: {  	s13 =	sadd.s32 $0x1, s13;
	s14 =	smov.u32 s0;
	s0 =	sadd.s32 $0x1, s0  }
0x193: {  	p2 =	sne.s32 s6, s0;
	v1 =	vld.msk @!p1 [tilespmem:s13+$0x0], $0x1;
	_ =	sdelay $0x4  }
0x194: {  	(v2sf) =	vpush @!p1 v1, $0x0;
	_ =	sdelay $0xe  }
.Ltmp24:
0x195: {  	s3 =	spop @!p1 (v2sf);
	(pc) =	sbr.rel @p2 .LBB2_29-.Ltmp24, $4  }
0x196: {  	p3 =	seq.s32 @!p1 s12, s3  }
0x197: {  	p3 =	por !p3, p1  }
0x198: {  	s14 =	simm.s32 @p3 $0xFFFFFFFF  }
0x199: {  	s14 =	smov.u32 @p1 s2  }
.LBB2_30:
0x19a: {  	p1 =	seq.s32 s14, $0xFFFFFFFF  }
.Ltmp25:
0x19b: {  	_ = 	snop;
	(pc) =	sbr.rel @p1 .LBB2_32-.Ltmp25, $1  }
0x19c: {  	_ =	sdelay $0x3  }
0x19d: {  	s0 =	sshll.u32 s11, $0x7  }
0x19e: {  	s0 =	sand.u32 $0x3FFFFF80, s0  }
0x19f: {  	v0 =	vld [tilespmem:s0+$0xF238];
	_ =	sdelay $0x2  }
0x1a0: {  	s2 =	sshll.u32 s14, $0x9  }
0x1a1: {  	s2 =	sshra.s32 s2, $0x2  }
0x1a2: {  	[tilespmem:s2+$0xF238] =	vst.add.f32.msk $0xffff, v0  }
0x1a3: {  	v0 =	vld [tilespmem:s0+$0xF248];
	_ =	sdelay $0x4  }
0x1a4: {  	[tilespmem:s2+$0xF248] =	vst.add.f32.msk $0xffff, v0  }
0x1a5: {  	v0 =	vld [tilespmem:s0+$0xF258];
	_ =	sdelay $0x4  }
0x1a6: {  	[tilespmem:s2+$0xF258] =	vst.add.f32.msk $0xffff, v0  }
0x1a7: {  	v0 =	vld [tilespmem:s0+$0xF268];
	_ =	sdelay $0x4  }
0x1a8: {  	[tilespmem:s2+$0xF268] =	vst.add.f32.msk $0xffff, v0  }
0x1a9: {  	v0 =	vld [tilespmem:s0+$0xF278];
	_ =	sdelay $0x4  }
0x1aa: {  	[tilespmem:s2+$0xF278] =	vst.add.f32.msk $0xffff, v0  }
0x1ab: {  	v0 =	vld [tilespmem:s0+$0xF288];
	_ =	sdelay $0x4  }
0x1ac: {  	[tilespmem:s2+$0xF288] =	vst.add.f32.msk $0xffff, v0  }
0x1ad: {  	v0 =	vld [tilespmem:s0+$0xF298];
	_ =	sdelay $0x4  }
0x1ae: {  	[tilespmem:s2+$0xF298] =	vst.add.f32.msk $0xffff, v0  }
0x1af: {  	v0 =	vld [tilespmem:s0+$0xF2A8]  }
.Ltmp26:
0x1b0: {  	_ = 	snop;
	(pc) =	sbr.rel .LBB2_33-.Ltmp26, $2  }
0x1b1: {  	_ =	sdelay $0x2  }
0x1b2: {  	[tilespmem:s2+$0xF2A8] =	vst.add.f32.msk $0xffff, v0  }
.LBB2_34:
0x1b3: {  	s0 =	simm.s32 $0x6;
	p1 =	seq.s32 s6, $0x0  }
0x1b4: {  	[sflag:s0] =	ssyncpa.u1 $0x1;
	v0 =	vimm.s32 @p1 $0xFFFFFFFF  }
0x1b5: {  	s9 =	sadd.s32 $0xFFFFFFFF, s6;
	[tilespmem:$0x10238] =	vst @p1 v0  }
0x1b6: {  	v0 =	vld.msk @!p1 [tilespmem:s9+$0xF218], $0x1;
	_ =	sdelay $0x1  }
0x1b7: {  	v1 =	vld.msk @!p1 [tilespmem:$0xF218], $0x1;
	_ =	sdelay $0x2  }
0x1b8: {  	p2 =	seq.s32 @!p1 s9, $0x0;
	v0 =	vbroadcast @!p1 v0, $0x0  }
0x1b9: {  	vm0 =	vmmov @!p1 $0x1;
	p2 =	por !p2, p1  }
0x1ba: {  	v1 =	vnsel @!p1 vm0, $0xFFFFFFFF, v1;
	vm0 =	vcmask @!p1 $0x308;
	v0 =	vpsel !p2, $0xFFFFFFFF, v0  }
0x1bb: {  	p2 =	sne.s32 @!p1 s8, s7;
	v0 =	vsel @!p1 vm0, v1, v0  }
0x1bc: {  	s0 =	simm.s32 @!p1 $0xF238;
	s2 =	simm.s32 @!p1 $0x0;
	p3 =	por !p2, p1;
	[tilespmem:$0x10238] =	vst @!p1 v0  }
0x1bd: {  	[spmem:s2] =	stream.linear.scatter @!p1 [tilespmem:s0], [sflag:$0x1], $0x80, $0x38;
	[tilespmem:$0x1F6F8] =	vst v63  }
0x1be: {  	s0 =	sshll.u32 @!p3 s9, $0x9  }
0x1bf: {  	s0 =	sshra.s32 @!p3 s0, $0x2  }
0x1c0: {  	s2 =	simm.s32 @!p3 $0x80;
	s0 =	sadd.s32 @!p3 $0xF238, s0  }
0x1c1: {  	[spmem:s2] =	stream.linear.scatter @!p3 [tilespmem:s0], [sflag:$0x1], $0x80, $0x38;
	[tilespmem:$0x1F6F8] =	vst v63  }
0x1c2: {  	s0 =	simm.s32 @!p3 $0x1  }
0x1c3: {  	_ =	swait.ge @!p3 [sflag:s0], $0x100  }
0x1c4: {  	p1 =	por p2, p1;
	[sflag:s0] =	ssyncset.done @!p3 $0x0  }
0x1c5: {  	[sflag:s0] =	ssyncadd.s32 @!p3 $0xFFFFFF00;
	s0 =	simm.s32 @!p1 $0x1  }
0x1c6: {  	_ =	swait.ge @!p1 [sflag:s0], $0x80  }
0x1c7: {  	s29 =	simm.s32 $0x10238;
	[sflag:s0] =	ssyncset.done @!p1 $0x0  }
0x1c8: {  	s30 =	simm.s32 $0x1000;
	s31 =	simm.s32 $0x1;
	[sflag:s0] =	ssyncadd.s32 @!p1 $0xFFFFFF80  }
0x1c9: {  	[spmem:s30] =	stream.linear.scatter [tilespmem:s29], [sflag:$0x1], $0x10, $0x38;
	[tilespmem:$0x1F6F8] =	vst v63  }
0x1ca: {  	_ =	swait.ge [sflag:s31], $0x10  }
0x1cb: {  	[sflag:s31] =	ssyncset.done $0x0  }
0x1cc: {  	p1 =	seq.s32 s15, $0x0;
	s8 =	rddreg [dreg:$0x2];
	[sflag:s31] =	ssyncadd.s32 $0xFFFFFFF0  }
0x1cd: {  	s2 =	sshll.u32 @p1 s8, $0xE;
	s7 =	rddreg [dreg:$0x3]  }
0x1ce: {  	s0 =	sadd.s32 @p1 $0x15C3C, s2;
	s2 =	sshll.u32 @p1 s7, $0x11  }
0x1cf: {  	_ =	sfence.stream.spmem;
	s0 =	sor.u32 @p1 s2, s0  }
0x1d0: {  	[sflag:s0] =	ssyncadd.remote.s32 @p1 $0x1;
	s0 =	simm.s32 @p1 $0x4  }
0x1d1: {  	s3 =	simm.s32 @!p1 $0x3C;
	s2 =	sand.u32 $0xFFFFFFFE, s8;
	_ =	swait.ge @p1 [sflag:s0], $0x22  }
0x1d2: {  	s4 =	simm.s32 @!p1 $0x0;
	s2 =	sadd.s32 @!p1 $0x4, s2;
	[sflag:s0] =	ssyncset.done @p1 $0x0  }
0x1d3: {  	s5 =	simm.s32 @!p1 $0x100;
	[sflag:s0] =	ssyncadd.s32 @p1 $0xFFFFFFDE;
	s0 =	sshll.u32 @!p1 s2, $0x1A  }
0x1d4: {  	s2 =	sshll.u32 @!p1 s2, $0xD;
	s0 =	sor.u32 @!p1 s0, s7;
	_ =	swait.eq @!p1 [sflag:s3], $0x1  }
0x1d5: {  	s2 =	sor.u32 @!p1 $0x1C04, s2;
	s3 =	simm.s32 @!p1 $0x1C03;
	s0 =	sor.u32 @!p1 $0x80004000, s0  }
0x1d6: {  	[spmem:s5], [sflag:s2] =	dma.general @!p1 [spmem:s4], [sflag:s3], length:$0x20, [dreg:$0x0], stride_count:$0x0, ici_dest:s0, dma_misc:DstOpCode:WRITE  }
0x1d7: {  	p2 =	slt.s32 s9, $0x2;
	s4 =	simm.s32 @!p1 $0x200;
	s5 =	simm.s32 @!p1 $0x202  }
0x1d8: {  	[spmem:s5], [sflag:s2] =	dma.general @!p1 [spmem:s4], [sflag:s3], length:$0x2, [dreg:$0x0], stride_count:$0x0, ici_dest:s0, dma_misc:DstOpCode:WRITE  }
.Ltmp27:
0x1d9: {  	s0 =	simm.s32 @!p1 $0x3;
	(pc) =	sbr.rel @p2 .LBB2_38-.Ltmp27, $4  }
0x1da: {  	s2 =	sshll.u32 @!p1 s8, $0xE;
	_ =	swait.ge @!p1 [sflag:s0], $0x22  }
0x1db: {  	s3 =	sshll.u32 @!p1 s7, $0x11;
	s2 =	sadd.s32 @!p1 $0x11C3C, s2;
	[sflag:s0] =	ssyncset.done @!p1 $0x0  }
0x1dc: {  	[sflag:s0] =	ssyncadd.s32 @!p1 $0xFFFFFFDE;
	s0 =	sor.u32 @!p1 s3, s2  }
0x1dd: {  	[sflag:s0] =	ssyncadd.remote.s32 @!p1 $0xFFFFFFFF;
	s0 =	simm.s32 $0x0  }
0x1de: {  	s0 =	simm.s32 $0xF219  }
0x1df: {  	v0 =	vld.msk [tilespmem:s0+$0x0], $0x1;
	_ =	sdelay $0x4  }
0x1e0: {  	(v2sf) =	vpush v0, $0x0;
	_ =	sdelay $0xb  }
0x1e1: {  	s31 =	sadd.s32 $0xFFFFFFFE, s6  }
0x1e2: {  	s0 =	sadd.s32 $0xFFFFFFFF, s31  }
0x1e3: {  	p2 =	sne.s32 s0, $0x0  }
.Ltmp28:
0x1e4: {  	s2 =	spop (v2sf);
	(pc) =	sbr.rel @!p2 .LBB2_37-.Ltmp28, $4  }
0x1e5: {  	s4 =	simm.s32 $0xF2B8;
	s7 =	simm.s32 $0x0;
	p1 =	sgt.u32 s2, $0x4E2070  }
0x1e6: {  	s5 =	simm.s32 $0x0;
	s6 =	simm.s32 $0xF21A;
	s3 =	sand.u32 @!p1 $0x7FFFF8, s2  }
0x1e7: {  	s2 =	sand.u32 @!p1 $0x7, s2;
	s7 =	simm.s32 @!p1 $0x200;
	s3 =	sadd.s32 @!p1 s1, s3  }
0x1e8: {  	[hbm4b:s3+s2] =	stream.linear.scatter @!p1 [tilespmem:s4], [sflag:$0x5], $0x80, $0x38;
	[tilespmem:$0x1F6F8] =	vst v63  }
.LBB2_36:
0x1e9: {  	v0 =	vld.msk [tilespmem:s6+$0x0], $0x1;
	s0 =	sadd.s32 $0xFFFFFFFF, s0;
	s5 =	sadd.s32 s5, s7  }
0x1ea: {  	p1 =	sne.s32 s0, $0x0;
	_ =	sdelay $0x3  }
0x1eb: {  	(v2sf) =	vpush v0, $0x0;
	_ =	sdelay $0xe  }
.Ltmp29:
0x1ec: {  	s2 =	spop (v2sf);
	(pc) =	sbr.rel @p1 .LBB2_36-.Ltmp29, $4  }
0x1ed: {  	s7 =	simm.s32 $0x0;
	p2 =	sgt.u32 s2, $0x4E2070  }
0x1ee: {  	s4 =	sadd.s32 $0x80, s4;
	s7 =	simm.s32 @!p2 $0x200;
	s3 =	sand.u32 @!p2 $0x7FFFF8, s2  }
0x1ef: {  	s6 =	sadd.s32 $0x1, s6;
	s2 =	sand.u32 @!p2 $0x7, s2;
	s3 =	sadd.s32 @!p2 s1, s3  }
0x1f0: {  	[hbm4b:s3+s2] =	stream.linear.scatter @!p2 [tilespmem:s4], [sflag:$0x5], $0x80, $0x38;
	[tilespmem:$0x1F6F8] =	vst v63  }
.LBB2_37:
0x1f1: {  	s0 =	sadd.s32 s5, s7  }
0x1f2: {  	s0 =	sshrl.u32 s0, $0x2  }
.LBB2_38:
0x1f3: {  	s2 =	simm.s32 $0x5  }
0x1f4: {  	_ =	swait.ge [sflag:s2], s0  }
0x1f5: {  	s31 =	ssub.s32 $0x0, s0;
	[sflag:s2] =	ssyncset.done $0x0  }
0x1f6: {  	[sflag:s2] =	ssyncadd.s32 s31  }
0x1f7: {  	[sflag:s2] =	ssyncpa.u1 $0x1  }
.LBB2_39:
0x1f8: {  	s0 =	sor.u32 s15, s16  }
0x1f9: {  	p1 =	sne.s32 s0, $0x0  }
.Ltmp30:
0x1fa: {  	_ = 	snop;
	(pc) =	sbr.rel @p1 .LBB2_54-.Ltmp30, $3  }
0x1fb: {  	_ =	sdelay $0x1  }
0x1fc: {  	[bflag:$0x0] =	sbarrier.arrive $0xFFFF  }
0x1fd: {  	_ =	sfence  }
0x1fe: {  	s0 =	simm.s32 $0x7  }
0x1ff: {  	s2 =	simm.s32 $0x1000;
	s3 =	simm.s32 $0xF218;
	[sflag:s0] =	ssyncpa.u1 $0x0  }
0x200: {  	[tilespmem:s3], [sflag:$0x7] =	stream.linear.gather [spmem:s2], $0x20, $0x38;
	[tilespmem:$0x1F6F8] =	vst v63  }
0x201: {  	s30 =	simm.s32 $0xF238;
	s2 =	simm.s32 $0x0  }
0x202: {  	[tilespmem:s30], [sflag:$0x7] =	stream.linear.gather [spmem:s2], $0x1000, $0x38;
	[tilespmem:$0x1F6F8] =	vst v63  }
.Ltmp31:
0x203: {  	_ = 	snop;
	(pc) =	sbr.rel .LBB2_41-.Ltmp31, $4  }
0x204: {  	_ =	swait.ge [sflag:s0], $0x1020  }
0x205: {  	[sflag:s0] =	ssyncset.done $0x0  }
0x206: {  	s31 =	simm.s32 $0x8;
	[sflag:s0] =	ssyncadd.s32 $0xFFFFEFE0  }
0x207: {  	s3 =	simm.s32 $0x0;
	[sflag:s31] =	ssyncpa.u1 $0x0  }
.LBB2_47:
0x208: {  	p1 =	slt.u32 s4, $0x4E2071  }
0x209: {  	s0 =	sand.u32 @p1 $0x7FFFF8, s4  }
0x20a: {  	s4 =	sand.u32 @p1 $0x7, s4;
	s5 =	simm.s32 @p1 $0xF188;
	s0 =	sadd.s32 @p1 s1, s0  }
0x20b: {  	[tilespmem:s5], [sflag:$0x8] =	stream.linear.gather @p1 [hbm4b:s0+s4], $0x80, $0x38;
	[tilespmem:$0x1F6F8] =	vst v63  }
0x20c: {  	s0 =	simm.s32 @p1 $0x8  }
0x20d: {  	_ =	swait.ge @p1 [sflag:s0], $0x80  }
0x20e: {  	[sflag:s0] =	ssyncset.done @p1 $0x0  }
0x20f: {  	[sflag:s0] =	ssyncadd.s32 @p1 $0xFFFFFF80  }
0x210: {  	v1 =	vld @p1 [tilespmem:$0xF188];
	_ =	sdelay $0x2  }
0x211: {  	s0 =	sshll.u32 @p1 s3, $0x9  }
0x212: {  	s4 =	sshrl.u32 @p1 s0, $0x2  }
0x213: {  	[tilespmem:s4+$0xF238] =	vst.add.f32.msk @p1 $0xffff, v1  }
0x214: {  	v1 =	vld @p1 [tilespmem:$0xF198];
	_ =	sdelay $0x4  }
0x215: {  	[tilespmem:s4+$0xF248] =	vst.add.f32.msk @p1 $0xffff, v1  }
0x216: {  	v1 =	vld @p1 [tilespmem:$0xF1A8];
	_ =	sdelay $0x4  }
0x217: {  	[tilespmem:s4+$0xF258] =	vst.add.f32.msk @p1 $0xffff, v1  }
0x218: {  	v1 =	vld @p1 [tilespmem:$0xF1B8];
	_ =	sdelay $0x4  }
0x219: {  	[tilespmem:s4+$0xF268] =	vst.add.f32.msk @p1 $0xffff, v1  }
0x21a: {  	v1 =	vld @p1 [tilespmem:$0xF1C8];
	_ =	sdelay $0x4  }
0x21b: {  	[tilespmem:s4+$0xF278] =	vst.add.f32.msk @p1 $0xffff, v1  }
0x21c: {  	v1 =	vld @p1 [tilespmem:$0xF1D8];
	_ =	sdelay $0x4  }
0x21d: {  	[tilespmem:s4+$0xF288] =	vst.add.f32.msk @p1 $0xffff, v1  }
0x21e: {  	v1 =	vld @p1 [tilespmem:$0xF1E8];
	_ =	sdelay $0x4  }
0x21f: {  	[tilespmem:s4+$0xF298] =	vst.add.f32.msk @p1 $0xffff, v1  }
0x220: {  	v1 =	vld @p1 [tilespmem:$0xF1F8];
	_ =	sdelay $0x3  }
0x221: {  	s5 =	sshll.u32 @!p1 s3, $0x9  }
0x222: {  	s5 =	smov.u32 @p1 s0;
	[tilespmem:s4+$0xF2A8] =	vst.add.f32.msk @p1 $0xffff, v1  }
0x223: {  	s0 =	sshrl.u32 s5, $0x2;
	[tilespmem:s2+$0xF218] =	vst.msk $0x1, v0  }
0x224: {  	v0 =	vld [tilespmem:s0+$0xF238];
	_ =	sdelay $0x2  }
0x225: {  	s31 =	sshll.u32 s2, $0x9  }
0x226: {  	s4 =	sshra.s32 s31, $0x2  }
0x227: {  	[tilespmem:s4+$0xF238] =	vst v0  }
0x228: {  	v0 =	vld [tilespmem:s0+$0xF248];
	_ =	sdelay $0x4  }
0x229: {  	[tilespmem:s4+$0xF248] =	vst v0  }
0x22a: {  	v0 =	vld [tilespmem:s0+$0xF258];
	_ =	sdelay $0x4  }
0x22b: {  	[tilespmem:s4+$0xF258] =	vst v0  }
0x22c: {  	v0 =	vld [tilespmem:s0+$0xF268];
	_ =	sdelay $0x4  }
0x22d: {  	[tilespmem:s4+$0xF268] =	vst v0  }
0x22e: {  	v0 =	vld [tilespmem:s0+$0xF278];
	_ =	sdelay $0x4  }
0x22f: {  	[tilespmem:s4+$0xF278] =	vst v0  }
0x230: {  	v0 =	vld [tilespmem:s0+$0xF288];
	_ =	sdelay $0x4  }
0x231: {  	[tilespmem:s4+$0xF288] =	vst v0  }
0x232: {  	v0 =	vld [tilespmem:s0+$0xF298];
	_ =	sdelay $0x4  }
0x233: {  	[tilespmem:s4+$0xF298] =	vst v0  }
0x234: {  	v0 =	vld [tilespmem:s0+$0xF2A8];
	_ =	sdelay $0x4  }
0x235: {  	s2 =	sadd.s32 $0x1, s2;
	[tilespmem:s4+$0xF2A8] =	vst v0  }
.LBB2_48:
0x236: {  	s3 =	sadd.s32 $0x1, s3  }
0x237: {  	p1 =	sne.s32 s3, $0x20  }
.Ltmp32:
0x238: {  	_ = 	snop;
	(pc) =	sbr.rel @!p1 .LBB2_49-.Ltmp32, $1  }
0x239: {  	_ =	sdelay $0x3  }
.LBB2_41:
0x23a: {  	v0 =	vld.msk [tilespmem:s3+$0xF218], $0x1;
	_ =	sdelay $0x4  }
0x23b: {  	(v2sf) =	vpush v0, $0x0;
	_ =	sdelay $0xe  }
0x23c: {  	s4 =	spop (v2sf)  }
0x23d: {  	p1 =	seq.s32 s4, $0xFFFFFFFF  }
.Ltmp33:
0x23e: {  	_ = 	snop;
	(pc) =	sbr.rel @p1 .LBB2_48-.Ltmp33, $1  }
0x23f: {  	_ =	sdelay $0x3  }
0x240: {  	p1 =	slt.s32 s2, $0x1  }
.Ltmp34:
0x241: {  	_ = 	snop;
	(pc) =	sbr.rel @p1 .LBB2_47-.Ltmp34, $1  }
0x242: {  	_ =	sdelay $0x3  }
0x243: {  	s5 =	simm.s32 $0xF218;
	p1 =	por $0x0, $0x0  }
0x244: {  	v1 =	vld.msk @!p1 [tilespmem:s5+$0x0], $0x1;
	_ =	sdelay $0x4  }
0x245: {  	(v2sf) =	vpush @!p1 v1, $0x0;
	_ =	sdelay $0xd  }
0x246: {  	p3 =	sne.s32 s2, $0x1  }
.Ltmp35:
0x247: {  	s0 =	spop @!p1 (v2sf);
	(pc) =	sbr.rel @!p3 .LBB2_45-.Ltmp35, $4  }
0x248: {  	p2 =	seq.s32 @!p1 s4, s0  }
0x249: {  	s6 =	simm.s32 $0x0;
	p2 =	por !p2, p1  }
0x24a: {  	s7 =	simm.s32 $0xFFFFFFFF;
	s6 =	simm.s32 @p2 $0xFFFFFFFF  }
0x24b: {  	s0 =	simm.s32 $0x1;
	s6 =	smov.u32 @p1 s7  }
.LBB2_44:
0x24c: {  	s7 =	smov.u32 s6;
	p1 =	sne.s32 s6, $0xFFFFFFFF  }
0x24d: {  	s5 =	sadd.s32 $0x1, s5;
	s6 =	smov.u32 s0;
	s0 =	sadd.s32 $0x1, s0  }
0x24e: {  	p2 =	sne.s32 s2, s0;
	v1 =	vld.msk @!p1 [tilespmem:s5+$0x0], $0x1;
	_ =	sdelay $0x4  }
0x24f: {  	(v2sf) =	vpush @!p1 v1, $0x0;
	_ =	sdelay $0xe  }
.Ltmp36:
0x250: {  	s8 =	spop @!p1 (v2sf);
	(pc) =	sbr.rel @p2 .LBB2_44-.Ltmp36, $4  }
0x251: {  	p3 =	seq.s32 @!p1 s4, s8  }
0x252: {  	p3 =	por !p3, p1  }
0x253: {  	s6 =	simm.s32 @p3 $0xFFFFFFFF  }
0x254: {  	s6 =	smov.u32 @p1 s7  }
.LBB2_45:
0x255: {  	p1 =	seq.s32 s6, $0xFFFFFFFF  }
.Ltmp37:
0x256: {  	_ = 	snop;
	(pc) =	sbr.rel @p1 .LBB2_47-.Ltmp37, $1  }
0x257: {  	_ =	sdelay $0x3  }
0x258: {  	s0 =	sshll.u32 s3, $0x7  }
0x259: {  	s0 =	sand.u32 $0x3FFFFF80, s0  }
0x25a: {  	v0 =	vld [tilespmem:s0+$0xF238];
	_ =	sdelay $0x2  }
0x25b: {  	s4 =	sshll.u32 s6, $0x9  }
0x25c: {  	s4 =	sshra.s32 s4, $0x2  }
0x25d: {  	[tilespmem:s4+$0xF238] =	vst.add.f32.msk $0xffff, v0  }
0x25e: {  	v0 =	vld [tilespmem:s0+$0xF248];
	_ =	sdelay $0x4  }
0x25f: {  	[tilespmem:s4+$0xF248] =	vst.add.f32.msk $0xffff, v0  }
0x260: {  	v0 =	vld [tilespmem:s0+$0xF258];
	_ =	sdelay $0x4  }
0x261: {  	[tilespmem:s4+$0xF258] =	vst.add.f32.msk $0xffff, v0  }
0x262: {  	v0 =	vld [tilespmem:s0+$0xF268];
	_ =	sdelay $0x4  }
0x263: {  	[tilespmem:s4+$0xF268] =	vst.add.f32.msk $0xffff, v0  }
0x264: {  	v0 =	vld [tilespmem:s0+$0xF278];
	_ =	sdelay $0x4  }
0x265: {  	[tilespmem:s4+$0xF278] =	vst.add.f32.msk $0xffff, v0  }
0x266: {  	v0 =	vld [tilespmem:s0+$0xF288];
	_ =	sdelay $0x4  }
0x267: {  	[tilespmem:s4+$0xF288] =	vst.add.f32.msk $0xffff, v0  }
0x268: {  	v0 =	vld [tilespmem:s0+$0xF298];
	_ =	sdelay $0x4  }
0x269: {  	[tilespmem:s4+$0xF298] =	vst.add.f32.msk $0xffff, v0  }
0x26a: {  	v0 =	vld [tilespmem:s0+$0xF2A8]  }
.Ltmp38:
0x26b: {  	_ = 	snop;
	(pc) =	sbr.rel .LBB2_48-.Ltmp38, $2  }
0x26c: {  	_ =	sdelay $0x2  }
0x26d: {  	[tilespmem:s4+$0xF2A8] =	vst.add.f32.msk $0xffff, v0  }
.LBB2_49:
0x26e: {  	p1 =	slt.s32 s2, $0x1  }
.Ltmp39:
0x26f: {  	_ = 	snop;
	(pc) =	sbr.rel @p1 .LBB2_53-.Ltmp39, $3  }
0x270: {  	_ =	sdelay $0x1  }
0x271: {  	s0 =	simm.s32 $0x8  }
0x272: {  	s3 =	simm.s32 $0x0;
	[sflag:s0] =	ssyncpa.u1 $0x1  }
0x273: {  	s0 =	simm.s32 $0xF218  }
0x274: {  	v0 =	vld.msk [tilespmem:s0+$0x0], $0x1;
	_ =	sdelay $0x4  }
0x275: {  	(v2sf) =	vpush v0, $0x0;
	_ =	sdelay $0xe  }
0x276: {  	s0 =	sadd.s32 $0xFFFFFFFF, s2;
	s5 =	spop (v2sf)  }
0x277: {  	p2 =	sne.s32 s0, $0x0;
	p1 =	sgt.u32 s5, $0x4E2070  }
.Ltmp40:
0x278: {  	s6 =	sand.u32 @!p1 $0x7FFFF8, s5;
	(pc) =	sbr.rel @!p2 .LBB2_52-.Ltmp40, $4  }
0x279: {  	s4 =	simm.s32 $0xF238;
	s5 =	sand.u32 @!p1 $0x7, s5;
	s2 =	sadd.s32 @!p1 s1, s6  }
0x27a: {  	[hbm4b:s2+s5] =	stream.linear.scatter @!p1 [tilespmem:s4], [sflag:$0x7], $0x80, $0x38;
	[tilespmem:$0x1F6F8] =	vst v63  }
0x27b: {  	s5 =	simm.s32 $0x0  }
0x27c: {  	s2 =	simm.s32 $0xF219;
	s5 =	simm.s32 @!p1 $0x200  }
.LBB2_51:
0x27d: {  	v0 =	vld.msk [tilespmem:s2+$0x0], $0x1;
	s0 =	sadd.s32 $0xFFFFFFFF, s0;
	s3 =	sadd.s32 s3, s5  }
0x27e: {  	p1 =	sne.s32 s0, $0x0;
	_ =	sdelay $0x3  }
0x27f: {  	(v2sf) =	vpush v0, $0x0;
	_ =	sdelay $0xe  }
.Ltmp41:
0x280: {  	s6 =	spop (v2sf);
	(pc) =	sbr.rel @p1 .LBB2_51-.Ltmp41, $4  }
0x281: {  	s5 =	simm.s32 $0x0;
	p2 =	sgt.u32 s6, $0x4E2070  }
0x282: {  	s4 =	sadd.s32 $0x80, s4;
	s5 =	simm.s32 @!p2 $0x200;
	s7 =	sand.u32 @!p2 $0x7FFFF8, s6  }
0x283: {  	s2 =	sadd.s32 $0x1, s2;
	s6 =	sand.u32 @!p2 $0x7, s6;
	s7 =	sadd.s32 @!p2 s1, s7  }
0x284: {  	[hbm4b:s7+s6] =	stream.linear.scatter @!p2 [tilespmem:s4], [sflag:$0x7], $0x80, $0x38;
	[tilespmem:$0x1F6F8] =	vst v63  }
.LBB2_52:
0x285: {  	s0 =	sadd.s32 s3, s5  }
0x286: {  	s3 =	sshrl.u32 s0, $0x2  }
.LBB2_53:
0x287: {  	s0 =	simm.s32 $0x7  }
0x288: {  	_ =	swait.ge [sflag:s0], s3  }
0x289: {  	s1 =	ssub.s32 $0x0, s3;
	[sflag:s0] =	ssyncset.done $0x0  }
0x28a: {  	[sflag:s0] =	ssyncadd.s32 s1  }
0x28b: {  	[sflag:s0] =	ssyncpa.u1 $0x1  }
.LBB2_54:
0x28c: {  	_ =	sfence;
	s0 =	simm.s32 $0x1  }
0x28d: {  	[sflag:s0] =	ssyncpa.u1 $0x1  }
0x28e: {  	_ =	strace $0x90000050  }
0x28f: {  	[bflag:$0x2] =	sbarrier.arrive $0xFFFF  }
0x290: {  	s0 =	rddreg [dreg:$0x4]  }
0x291: {  	s0 =	sadd.s32 @!p0 $0x100000, s0  }
0x292: {  	[sflag:s0] =	ssyncadd.tile.s32 @!p0 $0x1;
	_ =	shalt  }
.Lfunc_end2:
_tile_overlayer_lowered:
.L_overlay_start_2:
0x293: {  	(tag) =	ssettag $0x2  }
0x294: {  	s0 =	rddreg [dreg:$0x0];
	s2 =	stileid.u32  }
0x295: {  	s1 =	rddreg [dreg:$0x1];
	p0 =	sne.s32 s2, $0x0  }
0x296: {  	s3 =	rddreg [dreg:$0x2];
	[bflag:$0x3] =	sbarrier.arrive $0xFFFF;
	s2 =	simm.s32 @!p0 $0x1C01  }
0x297: {  	[timem:s3], [sflag:s2] =	dma.local @!p0 [hbm:s0], s1  }
0x298: {  	s0 =	simm.s32 @!p0 $0x1  }
0x299: {  	_ =	swait.ge @!p0 [sflag:s0], s1  }
0x29a: {  	s1 =	ssub.s32 @!p0 $0x0, s1;
	[sflag:s0] =	ssyncset.done @!p0 $0x0  }
0x29b: {  	[sflag:s0] =	ssyncadd.s32 @!p0 s1  }
0x29c: {  	[bflag:$0x3] =	sbarrier.arrive $0xFFFF  }
0x29d: {  	_ =	shalt  }

// kernel: sparse-core-data-format-call.cloned.1.call-start
scs
called_computation.2_lowered:
.L_overlay_start_0:
0x0: {  	s2 =	sld [smem:$0x3FD9]  }
0x1: {  	s3 =	sld [smem:$0x3FFE];
	_ =	sdelay $0x1  }
0x2: {  	s1 =	srdreg.scid  }
0x3: {  	s0 =	sand.u32 $0x1, s1  }
0x4: {  	s18 =	sshll.u32 s0, $0xA;
	s2 =	sadd.s32 s3, s2  }
0x5: {  	s2 =	sadd.s32 s2, s18  }
0x6: {  	[smem:$0x3FBA] =	sst s2  }
0x7: {  	_ = 	snop  }
0x8: {  	s2 =	sld [smem:$0x3FD0];
	(tm) =	ssettm $0x1  }
0x9: {  	s19 =	sld [smem:$0x3FFB];
	_ =	sdelay $0x3  }
0xa: {  	_ =	strace s19  }
0xb: {  	s3 =	sld [smem:$0x3FFC];
	_ =	sdelay $0x3  }
0xc: {  	_ =	strace s3  }
0xd: {  	s3 =	sld [smem:$0x3FFD];
	_ =	sdelay $0x3  }
0xe: {  	_ =	strace s3  }
0xf: {  	_ =	strace $0x8FFFFFFF  }
0x10: {  	s20 =	sld [smem:$0x3FDB];
	_ =	sdelay $0x1  }
0x11: {  	s4 =	simm.s32 $_scs_section_size  }
0x12: {  	s5 =	simm.s32 $_size__tile_overlayer_lowered;
	s6 =	simm.s32 $_tile_overlayer_lowered  }
0x13: {  	s23 =	simm.s32 $0x1BFF;
	s22 =	sshll.u32 s6, $0x1;
	s3 =	sadd.s32 s4, s20  }
0x14: {  	s7 =	simm.s32 $0x0;
	s21 =	sshll.u32 s5, $0x1;
	s5 =	sadd.s32 s22, s3  }
0x15: {  	[timem:s7], [sflag:s23] =	dma.local [hbm:s5], s21  }
0x16: {  	_ =	swait.ge [sflag:s23], s21  }
0x17: {  	s4 =	ssub.s32 $0x0, s21;
	[sflag:s23] =	ssyncset.done $0x0  }
0x18: {  	[sflag:s23] =	ssyncadd.s32 s4;
	_ =	sdelay $0x1  }
0x19: {  	s24 =	simm.s32 $0x1B8B  }
0x1a: {  	_ =	swait.ge [sflag:s24], $0x1  }
0x1b: {  	[sflag:s24] =	ssyncset.done $0x0  }
0x1c: {  	s26 =	simm.s32 $0x1B8E;
	s25 =	sld [smem:$0x3FFE];
	[sflag:s24] =	ssyncadd.s32 $0xFFFFFFFF  }
0x1d: {  	s27 =	simm.s32 $execute0_lowered;
	[smem:$0x3FD2] =	sst s26  }
0x1e: {  	s5 =	sshll.u32 s27, $0x1;
	_ =	strace $0x80000052;
	[dreg:$0x1] =	wrdreg $0xFFFFFFFF  }
0x1f: {  	s28 =	simm.s32 $_size_execute0_lowered;
	s3 =	sadd.s32 s3, s5;
	[dreg:$0x0] =	wrdreg $0x0  }
0x20: {  	s5 =	sshll.u32 s28, $0x1;
	[dreg:$0x2] =	wrdreg s3  }
0x21: {  	[dreg:$0x3] =	wrdreg s5  }
0x22: {  	[dreg:$0x4] =	wrdreg $0xC0  }
0x23: {  	_ =	task [dreg:s7], $0x5FFFF  }
0x24: {  	[dreg:$0x1] =	wrdreg $0xFFFFFFFF  }
0x25: {  	[dreg:$0x0] =	wrdreg $0x60  }
0x26: {  	[dreg:$0x2] =	wrdreg s25  }
0x27: {  	[dreg:$0x3] =	wrdreg s2  }
0x28: {  	[dreg:$0x4] =	wrdreg $0x9  }
0x29: {  	_ =	task.clear_ibuf [dreg:s7], $0x5FFFF;
	_ =	strace $0x90000052  }
0x2a: {  	s29 =	simm.s32 $0x9;
	_ =	strace $0x80000054  }
0x2b: {  	_ =	swait.ge [sflag:s29], $0x1  }
0x2c: {  	[sflag:s29] =	ssyncadd.s32 $0xFFFFFFFF  }
0x2d: {  	_ =	strace $0x90000054  }
0x2e: {  	_ =	sfence  }
0x2f: {  	s30 =	sld [smem:$0x0];
	_ =	sdelay $0x2  }
0x30: {  	s31 =	sshll.u32 s1, $0xD;
	s1 =	sshrl.u32 s1, $0x2  }
0x31: {  	s3 =	sand.u32 $0x4000, s31;
	s1 =	sadd.s32 s1, s30  }
0x32: {  	s0 =	sor.u32 s3, s0;
	s1 =	sshll.u32 s1, $0x11  }
0x33: {  	s0 =	sor.u32 s1, s0  }
0x34: {  	s0 =	sadd.s32 $0x8F2B, s0  }
0x35: {  	[sflag:s0] =	ssyncadd.remote.s32 $0x1  }
0x36: {  	_ =	sfence.sel $0xFFFF  }
0x37: {  	[dreg:$0x0] =	wrdreg $0xFFFFFFFF;
	(pc) =	sbr.abs _section_cstart, $3  }
0x38: {  	[dreg:$0x1] =	wrdreg $0xFFFFFFFF  }
0x39: {  	_ =	task.clear_ibuf [dreg:s7], $0x2FFFF;
	_ =	strace $0x9FFFFFFF  }
0x3a: {  	(tm) =	ssettm $0x7FFFFFFF  }
0x3b: {  	_ =	shalt  }
tec
execute0_lowered:
.L_overlay_start_1:
0x0: {  	(tag) =	ssettag $0x1  }
0x1: {  	s4 =	rddreg [dreg:$0x0]  }
0x2: {  	s2 =	rddreg [dreg:$0x1]  }
0x3: {  	s0 =	rddreg [dreg:$0x2];
	s1 =	stileid.u32;
	_ =	strace $0x80000053  }
0x4: {  	s5 =	srdreg.scid;
	s9 =	simm.s32 $0x2;
	s14 =	simm.s32 $0x0  }
0x5: {  	s16 =	simm.s32 $0x0;
	s11 =	simm.s32 $0x0;
	s12 =	simm.s32 $0x0  }
0x6: {  	s15 =	simm.s32 $0x0;
	s3 =	sshll.u32 s1, $0x7;
	s4 =	sadd.s32 $0x9A5800, s4  }
0x7: {  	s7 =	sshll.u32 s5, $0x7;
	s5 =	simm.s32 $0x1;
	s6 =	ssub.s32 $0x4E200, s3  }
.Ltmp0:
0x8: {  	[sflag:s5] =	ssyncpa.u1 $0x0;
	s8 =	sand.u32 $0x780, s6;
	(pc) =	sbr.rel .LBB1_1-.Ltmp0, $4  }
0x9: {  	s13 =	smov.u32 s3;
	p0 =	sne.s32 s8, $0x0;
	s8 =	simm.s32 $0x1  }
0xa: {  	s10 =	sshrl.u32 s6, $0xB;
	s6 =	sand.u32 $0x80, s7;
	s8 =	simm.s32 @!p0 $0x0  }
0xb: {  	[sflag:s9] =	ssyncpa.u1 $0x0;
	p0 =	por $0x0, $0x0;
	s7 =	sadd.s32 s8, s10  }
0xc: {  	s8 =	sshll.u32 s6, $0x3;
	s10 =	simm.s32 $0x271000;
	s9 =	sadd.s32 $0x1, s7  }
.LBB1_4:
0xd: {  	s22 =	sshrl.u32 s11, $0x3  }
0xe: {  	s23 =	sshll.u32 s12, $0x3;
	s22 =	smul.u32 $0x271000, s22  }
0xf: {  	s23 =	sand.u32 $0xFFFFFC00, s23  }
0x10: {  	s24 =	sand.u32 $0x7F, s12;
	s22 =	sadd.s32 s23, s22  }
0x11: {  	s23 =	sor.u32 s24, s22;
	s22 =	smulhi.u32 $0xD1B71759, s22  }
0x12: {  	v5 =	vld [tilespmem:s18+$0xFFFFFFD0];
	[tilespmem:s20+$0x2040 ss:$0x81] =	vst.msk $0xffff, v4;
	p1 =	sgt.s32 s12, $0x4E180;
	s25 =	smov.u32 s12;
	s26 =	sshra.s32 s12, $0x1F  }
0x13: {  	v58 =	vld [tilespmem:s18+$0xFFFFFFE0];
	[tilespmem:s20+$0x2850 ss:$0x81] =	vst.msk $0xffff, v3;
	s25 =	simm.s32 @!p1 $0x4E180;
	s26 =	sand.u32 s26, s12;
	s22 =	sshrl.u32 s22, $0x12  }
0x14: {  	s21 =	sshra.s32 s21, $0x2;
	v59 =	vld [tilespmem:s18+$0xFFFFFFF0];
	[tilespmem:s20+$0x3060 ss:$0x81] =	vst.msk $0xffff, v2;
	s29 =	ssub.s32 s25, s26;
	s27 =	smul.u32 $0x3C3D, s22  }
0x15: {  	[tilespmem:s20+$0x0 ss:$0x81] =	vst.msk $0xffff, v0;
	v60 =	vld [tilespmem:s18+$0x0];
	s19 =	sadd.s32 s21, s19;
	s25 =	sadd.s32 $0xFFFB1E80, s29;
	s24 =	smulhi.u32 $0xD1B71759, s23  }
0x16: {  	v61 =	vld [tilespmem:s18+$0x10];
	p1 =	sgt.s32 s11, $0x8;
	[tilespmem:s19+$0x3870 ss:$0x81] =	vst.msk $0xffff, v1;
	p2 =	sgt.s32 s25, $0x7F;
	s31 =	sshrl.u32 s27, $0x15  }
0x17: {  	v62 =	vld [tilespmem:s18+$0x20];
	s25 =	smov.u32 s11;
	[tilespmem:s19+$0x810 ss:$0x81] =	vst.msk $0xffff, v5;
	s30 =	sshrl.u32 s24, $0x12;
	s24 =	smul.u32 $0x88, s31  }
0x18: {  	v63 =	vld [tilespmem:s18+$0xFFFFFFC0];
	s20 =	ssub.s32 $0x4E200, s29;
	s25 =	simm.s32 @!p1 $0x8;
	[tilespmem:s19+$0x1020 ss:$0x81] =	vst.msk $0xffff, v58;
	s26 =	smul.u32 $0x4E200, s30  }
0x19: {  	[tilespmem:s19+$0x1830 ss:$0x81] =	vst.msk $0xffff, v59;
	s20 =	simm.s32 @p2 $0x0;
	s28 =	ssub.s32 $0x88, s25;
	s27 =	ssub.s32 s22, s24  }
0x1a: {  	[tilespmem:s19+$0x2040 ss:$0x81] =	vst.msk $0xffff, v60;
	s20 =	smul.u32 s28, s20;
	s18 =	ssub.s32 s23, s26;
	s21 =	sand.u32 $0xFFFF, s27  }
0x1b: {  	[tilespmem:s19+$0x2850 ss:$0x81] =	vst.msk $0xffff, v61;
	s29 =	sshrl.u32 s18, $0x3;
	s18 =	sand.u32 $0x7, s18;
	s21 =	smul.u32 $0x9C40, s21  }
0x1c: {  	[tilespmem:s19+$0x3060 ss:$0x81] =	vst.msk $0xffff, v62;
	s22 =	sadd.s32 s2, s29;
	s18 =	sshll.u32 s18, $0x12  }
0x1d: {  	[tilespmem:s19+$0x0 ss:$0x81] =	vst.msk $0xffff, v63;
	s30 =	sand.u32 $0x3FFFFFF8, s20;
	s18 =	sor.u32 $0x400, s18;
	s31 =	sadd.s32 s21, s22  }
0x1e: {  	[hbm4b:s31+s18] =	stream.strided.scatter [tilespmem:s17], [sflag:$0x2], s30, s10, s18, $0x20;
	[tilespmem:$0x10100] =	vst v63  }
.LBB1_5:
0x1f: {  	p1 =	slt.u32 s15, $0x2  }
0x20: {  	p2 =	sgt.s32 @!p1 s16, $0x4E180  }
0x21: {  	s17 =	smov.u32 s16;
	s18 =	sshra.s32 @!p1 s16, $0x1F;
	p2 =	por !p2, p1  }
0x22: {  	s16 =	sand.u32 @!p1 s18, s16;
	s17 =	simm.s32 @p2 $0x4E180  }
0x23: {  	s16 =	ssub.s32 @!p1 s17, s16  }
0x24: {  	p2 =	sgt.s32 @!p1 s14, $0x8;
	s17 =	sadd.s32 @!p1 $0xFFFB1E80, s16  }
0x25: {  	s18 =	sadd.s32 $0x800, s13;
	p2 =	por !p2, p1;
	p3 =	sgt.s32 @!p1 s17, $0x7F  }
0x26: {  	s14 =	simm.s32 @p2 $0x8;
	s16 =	ssub.s32 @!p1 $0x4E200, s16;
	p2 =	por !p3, p1  }
0x27: {  	s14 =	ssub.s32 @!p1 $0x88, s14;
	s16 =	simm.s32 @!p2 $0x0;
	p2 =	sgt.s32 s18, $0x4E1FF  }
0x28: {  	s14 =	smul.u32 @!p1 s14, s16;
	s18 =	smov.u32 @p2 s3;
	p2 =	sne.s32 s15, s9  }
.Ltmp1:
0x29: {  	s20 =	sadd.s32 $0x1, s15;
	p0 =	por !p0, !p0;
	(pc) =	sbr.rel @!p2 .LBB1_6-.Ltmp1, $4  }
0x2a: {  	s17 =	simm.s32 @!p1 $0x2;
	s16 =	smov.u32 s12;
	s14 =	sand.u32 @!p1 $0x3FFFFFFF, s14  }
0x2b: {  	s12 =	smov.u32 s13;
	s15 =	smov.u32 s20;
	_ =	swait.ge @!p1 [sflag:s17], s14  }
0x2c: {  	s13 =	smov.u32 s18;
	s19 =	ssub.s32 @!p1 $0x0, s14;
	[sflag:s17] =	ssyncset.done @!p1 $0x0  }
0x2d: {  	s14 =	smov.u32 s11;
	s11 =	smov.u32 s6;
	[sflag:s17] =	ssyncadd.s32 @!p1 s19  }
.LBB1_1:
0x2e: {  	p1 =	sge.u32 s15, s7  }
0x2f: {  	s17 =	sshll.u32 @!p1 s13, $0x8  }
0x30: {  	s18 =	sshll.u32 @!p1 s13, $0x7;
	s17 =	sand.u32 @!p1 $0xFFFFF800, s17  }
0x31: {  	s18 =	sand.u32 @!p1 $0x300, s18;
	s17 =	sor.u32 @!p1 s8, s17  }
0x32: {  	s17 =	sor.u32 @!p1 s18, s17  }
0x33: {  	s17 =	sshrl.u32 @!p1 s17, $0x8  }
0x34: {  	s18 =	smulhi.u32 @!p1 $0x1A36E3, s17;
	_ =	sdelay $0x1  }
0x35: {  	s18 =	sshrl.u32 @!p1 s18, $0x7  }
0x36: {  	s18 =	smul.u32 @!p1 $0x4E200, s18  }
0x37: {  	s31 =	sadd.s32 $0xFFFFFFFF, s15;
	s19 =	sxor.u32 @!p1 $0xFFFFFFFF, s15;
	s20 =	sshll.u32 @!p1 s13, $0x4  }
0x38: {  	s19 =	sshll.u32 @!p1 s19, $0xE;
	s17 =	ssub.s32 @!p1 s17, s18;
	s18 =	sand.u32 @!p1 $0x10, s20  }
0x39: {  	s19 =	sand.u32 @!p1 $0x4000, s19;
	s17 =	sshll.u32 @!p1 s17, $0x5;
	s18 =	sadd.s32 @!p1 s4, s18  }
0x3a: {  	s20 =	simm.s32 @!p1 $0x800;
	s17 =	sadd.s32 @!p1 s17, s18;
	s18 =	simm.s32 @!p1 $0x400  }
0x3b: {  	[tilespmem:s19], [sflag:$0x1] =	stream.strided.gather @!p1 [hbm4b:s17+s18], $0x4000, s20, s18, $0x38;
	[tilespmem:$0x10100] =	vst v63  }
0x3c: {  	p1 =	sge.u32 s31, s7  }
.Ltmp2:
0x3d: {  	_ = 	snop;
	(pc) =	sbr.rel @p1 .LBB1_5-.Ltmp2, $1  }
0x3e: {  	_ =	sdelay $0x3  }
0x3f: {  	s17 =	simm.s32 $0x1  }
0x40: {  	_ =	swait.ge [sflag:s5], $0x4000;
	s17 =	simm.s32 @!p0 $0x0  }
0x41: {  	[sflag:s5] =	ssyncset.done $0x0;
	s18 =	sshll.u32 s17, $0xE  }
0x42: {  	[sflag:s5] =	ssyncadd.s32 $0xFFFFC000;
	s18 =	sor.u32 $0x40, s18  }
0x43: {  	s17 =	smul.u32 $0x10200, s17;
	v0 =	vld [tilespmem:s18+$0x30]  }
0x44: {  	v1 =	vld [tilespmem:s18+$0xFFFFFFD0]  }
0x45: {  	s17 =	sshrl.u32 s17, $0x2;
	v5 =	vld [tilespmem:s18+$0xFFFFFFE0]  }
0x46: {  	v6 =	vld [tilespmem:s18+$0xFFFFFFF0];
	s19 =	sor.u32 $0x8000, s17  }
0x47: {  	s31 =	sand.u32 $0x1, s15;
	v4 =	vld [tilespmem:s18+$0x0];
	s20 =	sadd.s32 $0x0, s19  }
0x48: {  	v3 =	vld [tilespmem:s18+$0x10];
	s17 =	smul.u32 $0x10200, s31;
	[tilespmem:s20+$0x3870 ss:$0x81] =	vst.msk $0xffff, v0  }
0x49: {  	v2 =	vld [tilespmem:s18+$0x20];
	[tilespmem:s20+$0x810 ss:$0x81] =	vst.msk $0xffff, v1  }
0x4a: {  	s17 =	sshrl.u32 s17, $0x2;
	v0 =	vld [tilespmem:s18+$0xFFFFFFC0];
	[tilespmem:s20+$0x1020 ss:$0x81] =	vst.msk $0xffff, v5;
	s18 =	sadd.s32 $0x80, s18  }
0x4b: {  	s21 =	simm.s32 $0x4;
	s22 =	simm.s32 $0x8;
	s17 =	sor.u32 $0x8000, s17;
	[tilespmem:s20+$0x1830 ss:$0x81] =	vst.msk $0xffff, v6;
	v1 =	vld [tilespmem:s18+$0x30]  }
.LBB1_3:
0x4c: {  	p1 =	sne.s32 s22, $0x1FC;
	v5 =	vld [tilespmem:s18+$0xFFFFFFD0];
	[tilespmem:s20+$0x2040 ss:$0x81] =	vst.msk $0xffff, v4  }
0x4d: {  	v6 =	vld [tilespmem:s18+$0xFFFFFFE0];
	[tilespmem:s20+$0x2850 ss:$0x81] =	vst.msk $0xffff, v3  }
0x4e: {  	s23 =	sshra.s32 s21, $0x2;
	s21 =	smov.u32 s22;
	v7 =	vld [tilespmem:s18+$0xFFFFFFF0];
	[tilespmem:s20+$0x3060 ss:$0x81] =	vst.msk $0xffff, v2  }
.Ltmp3:
0x4f: {  	v4 =	vld [tilespmem:s18+$0x0];
	[tilespmem:s20+$0x0 ss:$0x81] =	vst.msk $0xffff, v0;
	s20 =	sadd.s32 s23, s19;
	(pc) =	sbr.rel @p1 .LBB1_3-.Ltmp3, $4  }
0x50: {  	v3 =	vld [tilespmem:s18+$0x10];
	[tilespmem:s20+$0x3870 ss:$0x81] =	vst.msk $0xffff, v1  }
0x51: {  	[tilespmem:s20+$0x810 ss:$0x81] =	vst.msk $0xffff, v5;
	v2 =	vld [tilespmem:s18+$0x20]  }
0x52: {  	v0 =	vld [tilespmem:s18+$0xFFFFFFC0];
	[tilespmem:s20+$0x1020 ss:$0x81] =	vst.msk $0xffff, v6;
	s18 =	sadd.s32 $0x80, s18  }
0x53: {  	s22 =	sadd.s32 $0x4, s22;
	v1 =	vld [tilespmem:s18+$0x30];
	[tilespmem:s20+$0x1830 ss:$0x81] =	vst.msk $0xffff, v7  }
.Ltmp4:
0x54: {  	_ = 	snop;
	(pc) =	sbr.rel .LBB1_4-.Ltmp4, $1  }
0x55: {  	_ =	sdelay $0x3  }
.LBB1_6:
0x56: {  	_ =	sfence.sel $0x180000  }
0x57: {  	s2 =	simm.s32 $0x1;
	[bflag:$0x0] =	sbarrier.arrive $0xFFFF  }
0x58: {  	s31 =	simm.s32 $0x2;
	[sflag:s2] =	ssyncpa.u1 $0x1  }
0x59: {  	[sflag:s31] =	ssyncpa.u1 $0x1  }
0x5a: {  	p0 =	sne.s32 s1, $0x0;
	_ =	strace $0x90000053  }
0x5b: {  	s0 =	sadd.s32 @!p0 $0x100000, s0;
	[bflag:$0x2] =	sbarrier.arrive $0xFFFF  }
0x5c: {  	[sflag:s0] =	ssyncadd.tile.s32 @!p0 $0x1;
	_ =	shalt  }
.Lfunc_end1:
_tile_overlayer_lowered:
.L_overlay_start_2:
0x5d: {  	(tag) =	ssettag $0x2  }
0x5e: {  	s0 =	rddreg [dreg:$0x0];
	s2 =	stileid.u32  }
0x5f: {  	s1 =	rddreg [dreg:$0x1];
	p0 =	sne.s32 s2, $0x0  }
0x60: {  	s3 =	rddreg [dreg:$0x2];
	[bflag:$0x3] =	sbarrier.arrive $0xFFFF;
	s2 =	simm.s32 @!p0 $0x1C01  }
0x61: {  	[timem:s3], [sflag:s2] =	dma.local @!p0 [hbm:s0], s1  }
0x62: {  	s0 =	simm.s32 @!p0 $0x1  }
0x63: {  	_ =	swait.ge @!p0 [sflag:s0], s1  }
0x64: {  	s1 =	ssub.s32 @!p0 $0x0, s1;
	[sflag:s0] =	ssyncset.done @!p0 $0x0  }
0x65: {  	[sflag:s0] =	ssyncadd.s32 @!p0 s1  }
0x66: {  	[bflag:$0x3] =	sbarrier.arrive $0xFFFF  }
0x67: {  	_ =	shalt  }

</sc_bundles>
